<compile_context>
chip_gen: v7x
topology: tpu7x:2x2x1
jax: 0.10.2.dev20260603
libtpu: 0.0.44.dev20260713+nightly
codegen_flags: <defaults>
</compile_context>

<pallas_src>
import functools

import jax
import jax.numpy as jnp
from jax import lax
from jax.experimental import pallas as pl
from jax.experimental.pallas import tpu as pltpu
from jax.experimental.pallas import tpu_sc as plsc

S = 2048
IB = 512
NB = 10
M = 1024
NC = 2
NS = 16
NT = NC * NS
LANES = 16
W_ROWS = NT + 2


def _addr_body(tokens_ref, conn_ref, pk_ref, mqk_ref):
    conn2 = conn_ref[...]
    powers = 1 << lax.broadcasted_iota(jnp.int32, (NB, 1), 0)
    qm = conn2 < IB
    colix = lax.broadcasted_iota(jnp.int32, (NB, IB), 1)
    wq = jnp.sum(jnp.where((colix == conn2) & qm, powers, 0),
                 axis=0, keepdims=True)
    wk = jnp.sum(jnp.where((colix == conn2 - IB) & ~qm, powers, 0),
                 axis=0, keepdims=True)

    tcol = lax.broadcasted_iota(jnp.int32, (NT, IB), 1)
    trow = lax.broadcasted_iota(jnp.int32, (NT, IB), 0)
    shift_mat = jnp.where(tcol % NT == trow, 1 << (tcol // NT), 0)
    w_all = jnp.concatenate([shift_mat, wq, wk], axis=0).astype(jnp.float32)

    pk_ref[...] = lax.dot_general(
        w_all, tokens_ref[...], (((1,), (1,)), ((), ())),
        preferred_element_type=jnp.float32).astype(jnp.int32)

    qmask = jnp.sum(jnp.where(qm, powers, 0))
    mar = lax.broadcasted_iota(jnp.int32, (1, M), 1)
    mq = jnp.bitwise_and(mar, qmask)
    mqk_ref[pl.ds(0, 1), :] = mq
    mqk_ref[pl.ds(1, 1), :] = mar - mq


def _unpack_body(w_ref, out_ref):
    xt = jnp.transpose(w_ref[...], (1, 0))
    parts = [((xt >> b) & 1).astype(jnp.float32) for b in range(LANES)]
    out_ref[...] = jnp.concatenate(parts, axis=1)


def _sc_body(pk_hbm, mem_hbm, mqk_hbm, out_hbm,
             outw, pkv, aqv, akv, membuf, mqbuf, mkbuf, P, U, sem):
    c = lax.axis_index("c")
    s = lax.axis_index("s")
    t = c * NS + s

    copies = [
        pltpu.async_copy(pk_hbm.at[t], pkv, sem),
        pltpu.async_copy(pk_hbm.at[NT], aqv, sem),
        pltpu.async_copy(pk_hbm.at[NT + 1], akv, sem),
        pltpu.async_copy(mem_hbm, membuf, sem),
        pltpu.async_copy(mqk_hbm.at[0], mqbuf, sem),
        pltpu.async_copy(mqk_hbm.at[1], mkbuf, sem),
    ]

    iota = lax.iota(jnp.int32, LANES)
    zero = jnp.zeros((LANES,), jnp.int32)
    rot = [(l + iota) & (LANES - 1) for l in range(LANES)]

    @plsc.parallel_loop(0, (M * LANES) // 128, unroll=2)
    def _zero_p(r):
        for k in range(8):
            P[pl.ds(r * 128 + k * LANES, LANES)] = zero

    @plsc.parallel_loop(0, (M * LANES) // 128, unroll=2)
    def _zero_u(r):
        for k in range(8):
            U[pl.ds(r * 128 + k * LANES, LANES)] = zero

    U[pl.ds(M * LANES, LANES)] = zero

    for cp in copies:
        cp.wait()

    def _scat(g, carry):
        j0 = g * LANES
        idx = akv[pl.ds(j0, LANES)] * LANES + iota
        tw = pkv[pl.ds(j0, LANES)]
        old = plsc.load_gather(P, [idx])
        plsc.store_scatter(P, [idx], old ^ tw)
        return carry

    lax.fori_loop(0, S // LANES, _scat, 0)

    def _accum(g, carry):
        m0 = g * LANES
        memv = membuf[pl.ds(m0, LANES)]
        urow = jnp.where(memv >= 0.5, mqbuf[pl.ds(m0, LANES)], M)
        pbase = mkbuf[pl.ds(m0, LANES)] * LANES
        uidx = urow * LANES + iota
        pv = plsc.load_gather(P, [pbase + rot[0]])
        for l in range(1, LANES):
            pv = pv ^ plsc.load_gather(P, [pbase + rot[l]])
        uv = plsc.load_gather(U, [uidx])
        plsc.store_scatter(U, [uidx], uv ^ pv)
        return carry

    lax.fori_loop(0, M // LANES, _accum, 0)

    @plsc.parallel_loop(0, S // LANES, unroll=2)
    def _gath(g):
        j0 = g * LANES
        base = aqv[pl.ds(j0, LANES)] * LANES
        w = plsc.load_gather(U, [base + rot[0]])
        for l in range(1, LANES):
            w = w ^ plsc.load_gather(U, [base + rot[l]])
        outw[pl.ds(j0, LANES)] = w

    pltpu.sync_copy(outw, out_hbm.at[t])


_sc_call = functools.partial(
    pl.kernel,
    mesh=plsc.VectorSubcoreMesh(core_axis_name="c", subcore_axis_name="s"),
    out_type=jax.ShapeDtypeStruct((NT, S), jnp.int32),
    compiler_params=pltpu.CompilerParams(use_tc_tiling_on_sc=False,
                                         needs_layout_passes=False),
    scratch_types=[
        pltpu.VMEM((S,), jnp.int32),
        pltpu.VMEM((S,), jnp.int32),
        pltpu.VMEM((S,), jnp.int32),
        pltpu.VMEM((S,), jnp.int32),
        pltpu.VMEM((M,), jnp.float32),
        pltpu.VMEM((M,), jnp.int32),
        pltpu.VMEM((M,), jnp.int32),
        pltpu.VMEM((M * LANES,), jnp.int32),
        pltpu.VMEM(((M + 1) * LANES,), jnp.int32),
        pltpu.SemaphoreType.DMA,
    ],
)(_sc_body)


@jax.jit
def kernel(tokens, memory, connections):
    pk, mqk = pl.pallas_call(
        _addr_body,
        out_shape=(jax.ShapeDtypeStruct((W_ROWS, S), jnp.int32),
                   jax.ShapeDtypeStruct((2, M), jnp.int32)),
    )(tokens, connections.reshape(NB, 1))
    w_out = _sc_call(pk, memory, mqk)
    return pl.pallas_call(
        _unpack_body,
        out_shape=jax.ShapeDtypeStruct((S, IB), jnp.float32),
    )(w_out)

# --- scband reference (transcript-rebuilt; emitter-appended) ---
"""Pipeline reference for scband-self-match-attention-30202210025962 (READ-ONLY COPY).

The authoritative reference and input builder live on the scoring server;
editing this copy changes nothing except your own understanding.
"""

import jax, jax.numpy as jnp
import numpy as np

INPUT_BITS = 512
SEQ_LEN = 2048
N_BITS_PER_NEURON = min(2 * INPUT_BITS, 10)


def setup_inputs(seed: int = 0) -> dict:
    key = jax.random.key(seed)
    k1, k2, k3 = jax.random.split(key, 3)
    # binary tokens in {0,1}, stacked [S, input_bits] (original takes a list of S bit-vectors)
    tokens = jax.random.randint(k1, (SEQ_LEN, INPUT_BITS), 0, 2).astype(jnp.float32)
    # RAMLayer wiring: a random subset of the 2*input_bits concatenated [query, key] wires
    # feeds the single RAM neuron's address (WiSARD-style weightless neuron).
    connections = jax.random.permutation(k2, jnp.arange(2 * INPUT_BITS))[:N_BITS_PER_NEURON].astype(jnp.int32)
    # RAM contents: one binary cell per address (learned by commit(); here random init)
    memory = jax.random.randint(k3, (2 ** N_BITS_PER_NEURON,), 0, 2).astype(jnp.float32)
    return {"tokens": tokens, "memory": memory, "connections": connections}


def reference(tokens, memory, connections):
    # For each (i, j): inp = cat([query_i, key_j]); match = RAM lookup at address formed
    # by the neuron's connected bits; output_i = XOR of all matched keys (zeros if none).
    S, ib = tokens.shape
    nb = connections.shape[0]
    powers = (2 ** jnp.arange(nb)).astype(jnp.int32)
    bits_int = jnp.round(tokens).astype(jnp.int32)
    q_mask = connections < ib                      # wires tapping the query half
    q_pos = jnp.where(q_mask, connections, 0)
    k_pos = jnp.where(q_mask, 0, connections - ib)  # wires tapping the key half
    qm = q_mask.astype(jnp.int32)
    # address = query-contribution (depends only on i) + key-contribution (only on j)
    aq = jnp.sum(jnp.take(bits_int, q_pos, axis=1) * powers * qm, axis=1)          # [S]
    ak = jnp.sum(jnp.take(bits_int, k_pos, axis=1) * powers * (1 - qm), axis=1)    # [S]
    addr = aq[:, None] + ak[None, :]                                               # [S, S]
    match = jnp.take(memory, addr.reshape(-1), axis=0).reshape(S, S)               # [S, S] in {0,1}
    # XOR-reduce of matched keys == bitwise parity of sum of (match_ij * key_jd).
    # Unmatched keys contribute 0, which is the XOR identity, and the no-match case
    # yields all-zeros exactly as in the original.
    counts = match @ tokens                                                        # [S, d]
    out = jnp.mod(counts, 2.0)
    return out

if __name__ == "__main__":
    import jax
    _d = setup_inputs()
    print(jax.jit(kernel)(*tuple(_d.values())))

</pallas_src>

<mosaic_0001>
#map = affine_map<(d0, d1) -> (0, 0)>
#map1 = affine_map<(d0, d1) -> (0)>
module attributes {stable_mosaic.version = 14 : i64} {
  func.func @_sc_body(%arg0: i32, %arg1: i32, %arg2: memref<34x2048xi32, #tpu.memory_space<hbm>>, %arg3: memref<1024xf32, #tpu.memory_space<hbm>>, %arg4: memref<2x1024xi32, #tpu.memory_space<hbm>>, %arg5: memref<32x2048xi32, #tpu.memory_space<hbm>>, %arg6: memref<2048xi32, #tpu.memory_space<vmem>>, %arg7: memref<2048xi32, #tpu.memory_space<vmem>>, %arg8: memref<2048xi32, #tpu.memory_space<vmem>>, %arg9: memref<2048xi32, #tpu.memory_space<vmem>>, %arg10: memref<1024xf32, #tpu.memory_space<vmem>>, %arg11: memref<1024xi32, #tpu.memory_space<vmem>>, %arg12: memref<1024xi32, #tpu.memory_space<vmem>>, %arg13: memref<16384xi32, #tpu.memory_space<vmem>>, %arg14: memref<16400xi32, #tpu.memory_space<vmem>>, %arg15: memref<!tpu.dma_semaphore, #tpu.memory_space<semaphore_mem>>) attributes {dimension_semantics = [#tpu.dimension_semantics<core_parallel>, #tpu.dimension_semantics<subcore_parallel>], iteration_bounds = array<i64: 2, 16>, scalar_prefetch = 0 : i64, scratch_operands = 10 : i64, tpu.core_type = #tpu.core_type<sc_vector_subcore>, window_params = [{transform_indices = #map}, {transform_indices = #map1}, {transform_indices = #map}, {transform_indices = #map}]} {
    %mul3A = arith.constant 16 : i32
    %mul3A_0 = arith.muli %arg0, %mul3A : i32
    %add3A = arith.addi %mul3A_0, %arg1 : i32
    %dma_start3A = arith.constant 0 : i32
    %dma_start3A_1 = tpu.memref_slice %arg2[%add3A, %dma_start3A] : memref<34x2048xi32, #tpu.memory_space<hbm>> -> memref<1x2048xi32, #tpu.memory_space<hbm>>
    %dma_start3A_2 = tpu.memref_squeeze %dma_start3A_1 : memref<1x2048xi32, #tpu.memory_space<hbm>> -> memref<2048xi32, #tpu.memory_space<hbm>>
    %dma_start3A_3 = arith.constant 0 : i32
    %dma_start3A_4 = tpu.memref_slice %arg2[%add3A, %dma_start3A_3] : memref<34x2048xi32, #tpu.memory_space<hbm>> -> memref<1x2048xi32, #tpu.memory_space<hbm>>
    %dma_start3A_5 = tpu.memref_squeeze %dma_start3A_4 : memref<1x2048xi32, #tpu.memory_space<hbm>> -> memref<2048xi32, #tpu.memory_space<hbm>>
    tpu.enqueue_dma source(%dma_start3A_5 : memref<2048xi32, #tpu.memory_space<hbm>>) target(%arg7 : memref<2048xi32, #tpu.memory_space<vmem>>) target_semaphore(%arg15 : memref<!tpu.dma_semaphore, #tpu.memory_space<semaphore_mem>>)
    %dma_start3A_6 = arith.constant 32 : i32
    %dma_start3A_7 = arith.constant 0 : i32
    %dma_start3A_8 = tpu.memref_slice %arg2[%dma_start3A_6, %dma_start3A_7] : memref<34x2048xi32, #tpu.memory_space<hbm>> -> memref<1x2048xi32, #tpu.memory_space<hbm>>
    %dma_start3A_9 = tpu.memref_squeeze %dma_start3A_8 : memref<1x2048xi32, #tpu.memory_space<hbm>> -> memref<2048xi32, #tpu.memory_space<hbm>>
    %dma_start3A_10 = arith.constant 0 : i32
    %dma_start3A_11 = tpu.memref_slice %arg2[%dma_start3A_6, %dma_start3A_10] : memref<34x2048xi32, #tpu.memory_space<hbm>> -> memref<1x2048xi32, #tpu.memory_space<hbm>>
    %dma_start3A_12 = tpu.memref_squeeze %dma_start3A_11 : memref<1x2048xi32, #tpu.memory_space<hbm>> -> memref<2048xi32, #tpu.memory_space<hbm>>
    tpu.enqueue_dma source(%dma_start3A_12 : memref<2048xi32, #tpu.memory_space<hbm>>) target(%arg8 : memref<2048xi32, #tpu.memory_space<vmem>>) target_semaphore(%arg15 : memref<!tpu.dma_semaphore, #tpu.memory_space<semaphore_mem>>)
    %dma_start3A_13 = arith.constant 33 : i32
    %dma_start3A_14 = arith.constant 0 : i32
    %dma_start3A_15 = tpu.memref_slice %arg2[%dma_start3A_13, %dma_start3A_14] : memref<34x2048xi32, #tpu.memory_space<hbm>> -> memref<1x2048xi32, #tpu.memory_space<hbm>>
    %dma_start3A_16 = tpu.memref_squeeze %dma_start3A_15 : memref<1x2048xi32, #tpu.memory_space<hbm>> -> memref<2048xi32, #tpu.memory_space<hbm>>
    %dma_start3A_17 = arith.constant 0 : i32
    %dma_start3A_18 = tpu.memref_slice %arg2[%dma_start3A_13, %dma_start3A_17] : memref<34x2048xi32, #tpu.memory_space<hbm>> -> memref<1x2048xi32, #tpu.memory_space<hbm>>
    %dma_start3A_19 = tpu.memref_squeeze %dma_start3A_18 : memref<1x2048xi32, #tpu.memory_space<hbm>> -> memref<2048xi32, #tpu.memory_space<hbm>>
    tpu.enqueue_dma source(%dma_start3A_19 : memref<2048xi32, #tpu.memory_space<hbm>>) target(%arg9 : memref<2048xi32, #tpu.memory_space<vmem>>) target_semaphore(%arg15 : memref<!tpu.dma_semaphore, #tpu.memory_space<semaphore_mem>>)
    tpu.enqueue_dma source(%arg3 : memref<1024xf32, #tpu.memory_space<hbm>>) target(%arg10 : memref<1024xf32, #tpu.memory_space<vmem>>) target_semaphore(%arg15 : memref<!tpu.dma_semaphore, #tpu.memory_space<semaphore_mem>>)
    %dma_start3A_20 = arith.constant 0 : i32
    %dma_start3A_21 = arith.constant 0 : i32
    %dma_start3A_22 = tpu.memref_slice %arg4[%dma_start3A_20, %dma_start3A_21] : memref<2x1024xi32, #tpu.memory_space<hbm>> -> memref<1x1024xi32, #tpu.memory_space<hbm>>
    %dma_start3A_23 = tpu.memref_squeeze %dma_start3A_22 : memref<1x1024xi32, #tpu.memory_space<hbm>> -> memref<1024xi32, #tpu.memory_space<hbm>>
    %dma_start3A_24 = arith.constant 0 : i32
    %dma_start3A_25 = tpu.memref_slice %arg4[%dma_start3A_20, %dma_start3A_24] : memref<2x1024xi32, #tpu.memory_space<hbm>> -> memref<1x1024xi32, #tpu.memory_space<hbm>>
    %dma_start3A_26 = tpu.memref_squeeze %dma_start3A_25 : memref<1x1024xi32, #tpu.memory_space<hbm>> -> memref<1024xi32, #tpu.memory_space<hbm>>
    tpu.enqueue_dma source(%dma_start3A_26 : memref<1024xi32, #tpu.memory_space<hbm>>) target(%arg11 : memref<1024xi32, #tpu.memory_space<vmem>>) target_semaphore(%arg15 : memref<!tpu.dma_semaphore, #tpu.memory_space<semaphore_mem>>)
    %dma_start3A_27 = arith.constant 1 : i32
    %dma_start3A_28 = arith.constant 0 : i32
    %dma_start3A_29 = tpu.memref_slice %arg4[%dma_start3A_27, %dma_start3A_28] : memref<2x1024xi32, #tpu.memory_space<hbm>> -> memref<1x1024xi32, #tpu.memory_space<hbm>>
    %dma_start3A_30 = tpu.memref_squeeze %dma_start3A_29 : memref<1x1024xi32, #tpu.memory_space<hbm>> -> memref<1024xi32, #tpu.memory_space<hbm>>
    %dma_start3A_31 = arith.constant 0 : i32
    %dma_start3A_32 = tpu.memref_slice %arg4[%dma_start3A_27, %dma_start3A_31] : memref<2x1024xi32, #tpu.memory_space<hbm>> -> memref<1x1024xi32, #tpu.memory_space<hbm>>
    %dma_start3A_33 = tpu.memref_squeeze %dma_start3A_32 : memref<1x1024xi32, #tpu.memory_space<hbm>> -> memref<1024xi32, #tpu.memory_space<hbm>>
    tpu.enqueue_dma source(%dma_start3A_33 : memref<1024xi32, #tpu.memory_space<hbm>>) target(%arg12 : memref<1024xi32, #tpu.memory_space<vmem>>) target_semaphore(%arg15 : memref<!tpu.dma_semaphore, #tpu.memory_space<semaphore_mem>>)
    %iota3A = tpu.iota {dimensions = array<i32: 0>} : vector<16xi32>
    %broadcast_in_dim3A = arith.constant 0 : i32
    %broadcast_in_dim3A_34 = vector.broadcast %broadcast_in_dim3A : i32 to vector<16xi32>
    %add3A_35 = arith.constant 0 : i32
    %add3A_36 = vector.broadcast %add3A_35 : i32 to vector<16xi32>
    %add3A_37 = arith.addi %add3A_36, %iota3A : vector<16xi32>
    %and3A = arith.constant 15 : i32
    %and3A_38 = vector.broadcast %and3A : i32 to vector<16xi32>
    %and3A_39 = arith.andi %add3A_37, %and3A_38 : vector<16xi32>
    %add3A_40 = arith.constant 1 : i32
    %add3A_41 = vector.broadcast %add3A_40 : i32 to vector<16xi32>
    %add3A_42 = arith.addi %add3A_41, %iota3A : vector<16xi32>
    %and3A_43 = arith.constant 15 : i32
    %and3A_44 = vector.broadcast %and3A_43 : i32 to vector<16xi32>
    %and3A_45 = arith.andi %add3A_42, %and3A_44 : vector<16xi32>
    %add3A_46 = arith.constant 2 : i32
    %add3A_47 = vector.broadcast %add3A_46 : i32 to vector<16xi32>
    %add3A_48 = arith.addi %add3A_47, %iota3A : vector<16xi32>
    %and3A_49 = arith.constant 15 : i32
    %and3A_50 = vector.broadcast %and3A_49 : i32 to vector<16xi32>
    %and3A_51 = arith.andi %add3A_48, %and3A_50 : vector<16xi32>
    %add3A_52 = arith.constant 3 : i32
    %add3A_53 = vector.broadcast %add3A_52 : i32 to vector<16xi32>
    %add3A_54 = arith.addi %add3A_53, %iota3A : vector<16xi32>
    %and3A_55 = arith.constant 15 : i32
    %and3A_56 = vector.broadcast %and3A_55 : i32 to vector<16xi32>
    %and3A_57 = arith.andi %add3A_54, %and3A_56 : vector<16xi32>
    %add3A_58 = arith.constant 4 : i32
    %add3A_59 = vector.broadcast %add3A_58 : i32 to vector<16xi32>
    %add3A_60 = arith.addi %add3A_59, %iota3A : vector<16xi32>
    %and3A_61 = arith.constant 15 : i32
    %and3A_62 = vector.broadcast %and3A_61 : i32 to vector<16xi32>
    %and3A_63 = arith.andi %add3A_60, %and3A_62 : vector<16xi32>
    %add3A_64 = arith.constant 5 : i32
    %add3A_65 = vector.broadcast %add3A_64 : i32 to vector<16xi32>
    %add3A_66 = arith.addi %add3A_65, %iota3A : vector<16xi32>
    %and3A_67 = arith.constant 15 : i32
    %and3A_68 = vector.broadcast %and3A_67 : i32 to vector<16xi32>
    %and3A_69 = arith.andi %add3A_66, %and3A_68 : vector<16xi32>
    %add3A_70 = arith.constant 6 : i32
    %add3A_71 = vector.broadcast %add3A_70 : i32 to vector<16xi32>
    %add3A_72 = arith.addi %add3A_71, %iota3A : vector<16xi32>
    %and3A_73 = arith.constant 15 : i32
    %and3A_74 = vector.broadcast %and3A_73 : i32 to vector<16xi32>
    %and3A_75 = arith.andi %add3A_72, %and3A_74 : vector<16xi32>
    %add3A_76 = arith.constant 7 : i32
    %add3A_77 = vector.broadcast %add3A_76 : i32 to vector<16xi32>
    %add3A_78 = arith.addi %add3A_77, %iota3A : vector<16xi32>
    %and3A_79 = arith.constant 15 : i32
    %and3A_80 = vector.broadcast %and3A_79 : i32 to vector<16xi32>
    %and3A_81 = arith.andi %add3A_78, %and3A_80 : vector<16xi32>
    %add3A_82 = arith.constant 8 : i32
    %add3A_83 = vector.broadcast %add3A_82 : i32 to vector<16xi32>
    %add3A_84 = arith.addi %add3A_83, %iota3A : vector<16xi32>
    %and3A_85 = arith.constant 15 : i32
    %and3A_86 = vector.broadcast %and3A_85 : i32 to vector<16xi32>
    %and3A_87 = arith.andi %add3A_84, %and3A_86 : vector<16xi32>
    %add3A_88 = arith.constant 9 : i32
    %add3A_89 = vector.broadcast %add3A_88 : i32 to vector<16xi32>
    %add3A_90 = arith.addi %add3A_89, %iota3A : vector<16xi32>
    %and3A_91 = arith.constant 15 : i32
    %and3A_92 = vector.broadcast %and3A_91 : i32 to vector<16xi32>
    %and3A_93 = arith.andi %add3A_90, %and3A_92 : vector<16xi32>
    %add3A_94 = arith.constant 10 : i32
    %add3A_95 = vector.broadcast %add3A_94 : i32 to vector<16xi32>
    %add3A_96 = arith.addi %add3A_95, %iota3A : vector<16xi32>
    %and3A_97 = arith.constant 15 : i32
    %and3A_98 = vector.broadcast %and3A_97 : i32 to vector<16xi32>
    %and3A_99 = arith.andi %add3A_96, %and3A_98 : vector<16xi32>
    %add3A_100 = arith.constant 11 : i32
    %add3A_101 = vector.broadcast %add3A_100 : i32 to vector<16xi32>
    %add3A_102 = arith.addi %add3A_101, %iota3A : vector<16xi32>
    %and3A_103 = arith.constant 15 : i32
    %and3A_104 = vector.broadcast %and3A_103 : i32 to vector<16xi32>
    %and3A_105 = arith.andi %add3A_102, %and3A_104 : vector<16xi32>
    %add3A_106 = arith.constant 12 : i32
    %add3A_107 = vector.broadcast %add3A_106 : i32 to vector<16xi32>
    %add3A_108 = arith.addi %add3A_107, %iota3A : vector<16xi32>
    %and3A_109 = arith.constant 15 : i32
    %and3A_110 = vector.broadcast %and3A_109 : i32 to vector<16xi32>
    %and3A_111 = arith.andi %add3A_108, %and3A_110 : vector<16xi32>
    %add3A_112 = arith.constant 13 : i32
    %add3A_113 = vector.broadcast %add3A_112 : i32 to vector<16xi32>
    %add3A_114 = arith.addi %add3A_113, %iota3A : vector<16xi32>
    %and3A_115 = arith.constant 15 : i32
    %and3A_116 = vector.broadcast %and3A_115 : i32 to vector<16xi32>
    %and3A_117 = arith.andi %add3A_114, %and3A_116 : vector<16xi32>
    %add3A_118 = arith.constant 14 : i32
    %add3A_119 = vector.broadcast %add3A_118 : i32 to vector<16xi32>
    %add3A_120 = arith.addi %add3A_119, %iota3A : vector<16xi32>
    %and3A_121 = arith.constant 15 : i32
    %and3A_122 = vector.broadcast %and3A_121 : i32 to vector<16xi32>
    %and3A_123 = arith.andi %add3A_120, %and3A_122 : vector<16xi32>
    %add3A_124 = arith.constant 15 : i32
    %add3A_125 = vector.broadcast %add3A_124 : i32 to vector<16xi32>
    %add3A_126 = arith.addi %add3A_125, %iota3A : vector<16xi32>
    %and3A_127 = arith.constant 15 : i32
    %and3A_128 = vector.broadcast %and3A_127 : i32 to vector<16xi32>
    %and3A_129 = arith.andi %add3A_126, %and3A_128 : vector<16xi32>
    %parallel_loop3A = arith.constant 0 : i32
    %parallel_loop3A_130 = arith.constant 128 : i32
    %parallel_loop3A_131 = arith.constant 1 : i32
    scf.for %parallel_loop3A_183 = %parallel_loop3A to %parallel_loop3A_130 step %parallel_loop3A_131  : i32 {
      %parallel_loop3A_184 = arith.constant 128 : i32
      %parallel_loop3A_185 = arith.muli %parallel_loop3A_183, %parallel_loop3A_184 : i32
      %parallel_loop3A_186 = arith.constant 0 : i32
      %parallel_loop3A_187 = arith.addi %parallel_loop3A_185, %parallel_loop3A_186 : i32
      %parallel_loop3A_188 = arith.index_cast %parallel_loop3A_187 : i32 to index
      %parallel_loop3A_189 = tpu.vector_load %arg13[%parallel_loop3A_188] {strides = array<i32>} : memref<16384xi32, #tpu.memory_space<vmem>>, vector<16xi32>,
      tpu.vector_store %arg13[%parallel_loop3A_188], %broadcast_in_dim3A_34 {strides = array<i32>} : memref<16384xi32, #tpu.memory_space<vmem>>, vector<16xi32>,
      %parallel_loop3A_190 = arith.constant 128 : i32
      %parallel_loop3A_191 = arith.muli %parallel_loop3A_183, %parallel_loop3A_190 : i32
      %parallel_loop3A_192 = arith.constant 16 : i32
      %parallel_loop3A_193 = arith.addi %parallel_loop3A_191, %parallel_loop3A_192 : i32
      %parallel_loop3A_194 = arith.index_cast %parallel_loop3A_193 : i32 to index
      %parallel_loop3A_195 = tpu.vector_load %arg13[%parallel_loop3A_194] {strides = array<i32>} : memref<16384xi32, #tpu.memory_space<vmem>>, vector<16xi32>,
      tpu.vector_store %arg13[%parallel_loop3A_194], %broadcast_in_dim3A_34 {strides = array<i32>} : memref<16384xi32, #tpu.memory_space<vmem>>, vector<16xi32>,
      %parallel_loop3A_196 = arith.constant 128 : i32
      %parallel_loop3A_197 = arith.muli %parallel_loop3A_183, %parallel_loop3A_196 : i32
      %parallel_loop3A_198 = arith.constant 32 : i32
      %parallel_loop3A_199 = arith.addi %parallel_loop3A_197, %parallel_loop3A_198 : i32
      %parallel_loop3A_200 = arith.index_cast %parallel_loop3A_199 : i32 to index
      %parallel_loop3A_201 = tpu.vector_load %arg13[%parallel_loop3A_200] {strides = array<i32>} : memref<16384xi32, #tpu.memory_space<vmem>>, vector<16xi32>,
      tpu.vector_store %arg13[%parallel_loop3A_200], %broadcast_in_dim3A_34 {strides = array<i32>} : memref<16384xi32, #tpu.memory_space<vmem>>, vector<16xi32>,
      %parallel_loop3A_202 = arith.constant 128 : i32
      %parallel_loop3A_203 = arith.muli %parallel_loop3A_183, %parallel_loop3A_202 : i32
      %parallel_loop3A_204 = arith.constant 48 : i32
      %parallel_loop3A_205 = arith.addi %parallel_loop3A_203, %parallel_loop3A_204 : i32
      %parallel_loop3A_206 = arith.index_cast %parallel_loop3A_205 : i32 to index
      %parallel_loop3A_207 = tpu.vector_load %arg13[%parallel_loop3A_206] {strides = array<i32>} : memref<16384xi32, #tpu.memory_space<vmem>>, vector<16xi32>,
      tpu.vector_store %arg13[%parallel_loop3A_206], %broadcast_in_dim3A_34 {strides = array<i32>} : memref<16384xi32, #tpu.memory_space<vmem>>, vector<16xi32>,
      %parallel_loop3A_208 = arith.constant 128 : i32
      %parallel_loop3A_209 = arith.muli %parallel_loop3A_183, %parallel_loop3A_208 : i32
      %parallel_loop3A_210 = arith.constant 64 : i32
      %parallel_loop3A_211 = arith.addi %parallel_loop3A_209, %parallel_loop3A_210 : i32
      %parallel_loop3A_212 = arith.index_cast %parallel_loop3A_211 : i32 to index
      %parallel_loop3A_213 = tpu.vector_load %arg13[%parallel_loop3A_212] {strides = array<i32>} : memref<16384xi32, #tpu.memory_space<vmem>>, vector<16xi32>,
      tpu.vector_store %arg13[%parallel_loop3A_212], %broadcast_in_dim3A_34 {strides = array<i32>} : memref<16384xi32, #tpu.memory_space<vmem>>, vector<16xi32>,
      %parallel_loop3A_214 = arith.constant 128 : i32
      %parallel_loop3A_215 = arith.muli %parallel_loop3A_183, %parallel_loop3A_214 : i32
      %parallel_loop3A_216 = arith.constant 80 : i32
      %parallel_loop3A_217 = arith.addi %parallel_loop3A_215, %parallel_loop3A_216 : i32
      %parallel_loop3A_218 = arith.index_cast %parallel_loop3A_217 : i32 to index
      %parallel_loop3A_219 = tpu.vector_load %arg13[%parallel_loop3A_218] {strides = array<i32>} : memref<16384xi32, #tpu.memory_space<vmem>>, vector<16xi32>,
      tpu.vector_store %arg13[%parallel_loop3A_218], %broadcast_in_dim3A_34 {strides = array<i32>} : memref<16384xi32, #tpu.memory_space<vmem>>, vector<16xi32>,
      %parallel_loop3A_220 = arith.constant 128 : i32
      %parallel_loop3A_221 = arith.muli %parallel_loop3A_183, %parallel_loop3A_220 : i32
      %parallel_loop3A_222 = arith.constant 96 : i32
      %parallel_loop3A_223 = arith.addi %parallel_loop3A_221, %parallel_loop3A_222 : i32
      %parallel_loop3A_224 = arith.index_cast %parallel_loop3A_223 : i32 to index
      %parallel_loop3A_225 = tpu.vector_load %arg13[%parallel_loop3A_224] {strides = array<i32>} : memref<16384xi32, #tpu.memory_space<vmem>>, vector<16xi32>,
      tpu.vector_store %arg13[%parallel_loop3A_224], %broadcast_in_dim3A_34 {strides = array<i32>} : memref<16384xi32, #tpu.memory_space<vmem>>, vector<16xi32>,
      %parallel_loop3A_226 = arith.constant 128 : i32
      %parallel_loop3A_227 = arith.muli %parallel_loop3A_183, %parallel_loop3A_226 : i32
      %parallel_loop3A_228 = arith.constant 112 : i32
      %parallel_loop3A_229 = arith.addi %parallel_loop3A_227, %parallel_loop3A_228 : i32
      %parallel_loop3A_230 = arith.index_cast %parallel_loop3A_229 : i32 to index
      %parallel_loop3A_231 = tpu.vector_load %arg13[%parallel_loop3A_230] {strides = array<i32>} : memref<16384xi32, #tpu.memory_space<vmem>>, vector<16xi32>,
      tpu.vector_store %arg13[%parallel_loop3A_230], %broadcast_in_dim3A_34 {strides = array<i32>} : memref<16384xi32, #tpu.memory_space<vmem>>, vector<16xi32>,
    } {sc.loop_unroll_factor = 2 : i64, sc.parallel_access}
    %parallel_loop3A_132 = arith.constant 0 : i32
    %parallel_loop3A_133 = arith.constant 128 : i32
    %parallel_loop3A_134 = arith.constant 1 : i32
    scf.for %parallel_loop3A_183 = %parallel_loop3A_132 to %parallel_loop3A_133 step %parallel_loop3A_134  : i32 {
      %parallel_loop3A_184 = arith.constant 128 : i32
      %parallel_loop3A_185 = arith.muli %parallel_loop3A_183, %parallel_loop3A_184 : i32
      %parallel_loop3A_186 = arith.constant 0 : i32
      %parallel_loop3A_187 = arith.addi %parallel_loop3A_185, %parallel_loop3A_186 : i32
      %parallel_loop3A_188 = arith.index_cast %parallel_loop3A_187 : i32 to index
      %parallel_loop3A_189 = tpu.vector_load %arg14[%parallel_loop3A_188] {strides = array<i32>} : memref<16400xi32, #tpu.memory_space<vmem>>, vector<16xi32>,
      tpu.vector_store %arg14[%parallel_loop3A_188], %broadcast_in_dim3A_34 {strides = array<i32>} : memref<16400xi32, #tpu.memory_space<vmem>>, vector<16xi32>,
      %parallel_loop3A_190 = arith.constant 128 : i32
      %parallel_loop3A_191 = arith.muli %parallel_loop3A_183, %parallel_loop3A_190 : i32
      %parallel_loop3A_192 = arith.constant 16 : i32
      %parallel_loop3A_193 = arith.addi %parallel_loop3A_191, %parallel_loop3A_192 : i32
      %parallel_loop3A_194 = arith.index_cast %parallel_loop3A_193 : i32 to index
      %parallel_loop3A_195 = tpu.vector_load %arg14[%parallel_loop3A_194] {strides = array<i32>} : memref<16400xi32, #tpu.memory_space<vmem>>, vector<16xi32>,
      tpu.vector_store %arg14[%parallel_loop3A_194], %broadcast_in_dim3A_34 {strides = array<i32>} : memref<16400xi32, #tpu.memory_space<vmem>>, vector<16xi32>,
      %parallel_loop3A_196 = arith.constant 128 : i32
      %parallel_loop3A_197 = arith.muli %parallel_loop3A_183, %parallel_loop3A_196 : i32
      %parallel_loop3A_198 = arith.constant 32 : i32
      %parallel_loop3A_199 = arith.addi %parallel_loop3A_197, %parallel_loop3A_198 : i32
      %parallel_loop3A_200 = arith.index_cast %parallel_loop3A_199 : i32 to index
      %parallel_loop3A_201 = tpu.vector_load %arg14[%parallel_loop3A_200] {strides = array<i32>} : memref<16400xi32, #tpu.memory_space<vmem>>, vector<16xi32>,
      tpu.vector_store %arg14[%parallel_loop3A_200], %broadcast_in_dim3A_34 {strides = array<i32>} : memref<16400xi32, #tpu.memory_space<vmem>>, vector<16xi32>,
      %parallel_loop3A_202 = arith.constant 128 : i32
      %parallel_loop3A_203 = arith.muli %parallel_loop3A_183, %parallel_loop3A_202 : i32
      %parallel_loop3A_204 = arith.constant 48 : i32
      %parallel_loop3A_205 = arith.addi %parallel_loop3A_203, %parallel_loop3A_204 : i32
      %parallel_loop3A_206 = arith.index_cast %parallel_loop3A_205 : i32 to index
      %parallel_loop3A_207 = tpu.vector_load %arg14[%parallel_loop3A_206] {strides = array<i32>} : memref<16400xi32, #tpu.memory_space<vmem>>, vector<16xi32>,
      tpu.vector_store %arg14[%parallel_loop3A_206], %broadcast_in_dim3A_34 {strides = array<i32>} : memref<16400xi32, #tpu.memory_space<vmem>>, vector<16xi32>,
      %parallel_loop3A_208 = arith.constant 128 : i32
      %parallel_loop3A_209 = arith.muli %parallel_loop3A_183, %parallel_loop3A_208 : i32
      %parallel_loop3A_210 = arith.constant 64 : i32
      %parallel_loop3A_211 = arith.addi %parallel_loop3A_209, %parallel_loop3A_210 : i32
      %parallel_loop3A_212 = arith.index_cast %parallel_loop3A_211 : i32 to index
      %parallel_loop3A_213 = tpu.vector_load %arg14[%parallel_loop3A_212] {strides = array<i32>} : memref<16400xi32, #tpu.memory_space<vmem>>, vector<16xi32>,
      tpu.vector_store %arg14[%parallel_loop3A_212], %broadcast_in_dim3A_34 {strides = array<i32>} : memref<16400xi32, #tpu.memory_space<vmem>>, vector<16xi32>,
      %parallel_loop3A_214 = arith.constant 128 : i32
      %parallel_loop3A_215 = arith.muli %parallel_loop3A_183, %parallel_loop3A_214 : i32
      %parallel_loop3A_216 = arith.constant 80 : i32
      %parallel_loop3A_217 = arith.addi %parallel_loop3A_215, %parallel_loop3A_216 : i32
      %parallel_loop3A_218 = arith.index_cast %parallel_loop3A_217 : i32 to index
      %parallel_loop3A_219 = tpu.vector_load %arg14[%parallel_loop3A_218] {strides = array<i32>} : memref<16400xi32, #tpu.memory_space<vmem>>, vector<16xi32>,
      tpu.vector_store %arg14[%parallel_loop3A_218], %broadcast_in_dim3A_34 {strides = array<i32>} : memref<16400xi32, #tpu.memory_space<vmem>>, vector<16xi32>,
      %parallel_loop3A_220 = arith.constant 128 : i32
      %parallel_loop3A_221 = arith.muli %parallel_loop3A_183, %parallel_loop3A_220 : i32
      %parallel_loop3A_222 = arith.constant 96 : i32
      %parallel_loop3A_223 = arith.addi %parallel_loop3A_221, %parallel_loop3A_222 : i32
      %parallel_loop3A_224 = arith.index_cast %parallel_loop3A_223 : i32 to index
      %parallel_loop3A_225 = tpu.vector_load %arg14[%parallel_loop3A_224] {strides = array<i32>} : memref<16400xi32, #tpu.memory_space<vmem>>, vector<16xi32>,
      tpu.vector_store %arg14[%parallel_loop3A_224], %broadcast_in_dim3A_34 {strides = array<i32>} : memref<16400xi32, #tpu.memory_space<vmem>>, vector<16xi32>,
      %parallel_loop3A_226 = arith.constant 128 : i32
      %parallel_loop3A_227 = arith.muli %parallel_loop3A_183, %parallel_loop3A_226 : i32
      %parallel_loop3A_228 = arith.constant 112 : i32
      %parallel_loop3A_229 = arith.addi %parallel_loop3A_227, %parallel_loop3A_228 : i32
      %parallel_loop3A_230 = arith.index_cast %parallel_loop3A_229 : i32 to index
      %parallel_loop3A_231 = tpu.vector_load %arg14[%parallel_loop3A_230] {strides = array<i32>} : memref<16400xi32, #tpu.memory_space<vmem>>, vector<16xi32>,
      tpu.vector_store %arg14[%parallel_loop3A_230], %broadcast_in_dim3A_34 {strides = array<i32>} : memref<16400xi32, #tpu.memory_space<vmem>>, vector<16xi32>,
    } {sc.loop_unroll_factor = 2 : i64, sc.parallel_access}
    %swap3A = arith.constant 16384 : index
    %swap3A_135 = tpu.vector_load %arg14[%swap3A] {strides = array<i32>} : memref<16400xi32, #tpu.memory_space<vmem>>, vector<16xi32>,
    tpu.vector_store %arg14[%swap3A], %broadcast_in_dim3A_34 {strides = array<i32>} : memref<16400xi32, #tpu.memory_space<vmem>>, vector<16xi32>,
    %dma_wait3A = arith.constant 0 : i32
    %dma_wait3A_136 = tpu.memref_slice %arg2[%add3A, %dma_wait3A] : memref<34x2048xi32, #tpu.memory_space<hbm>> -> memref<1x2048xi32, #tpu.memory_space<hbm>>
    %dma_wait3A_137 = tpu.memref_squeeze %dma_wait3A_136 : memref<1x2048xi32, #tpu.memory_space<hbm>> -> memref<2048xi32, #tpu.memory_space<hbm>>
    %dma_wait3A_138 = arith.constant 0 : i32
    %dma_wait3A_139 = tpu.memref_slice %arg2[%add3A, %dma_wait3A_138] : memref<34x2048xi32, #tpu.memory_space<hbm>> -> memref<1x2048xi32, #tpu.memory_space<hbm>>
    %dma_wait3A_140 = tpu.memref_squeeze %dma_wait3A_139 : memref<1x2048xi32, #tpu.memory_space<hbm>> -> memref<2048xi32, #tpu.memory_space<hbm>>
    tpu.wait_dma2 semaphore(%arg15 : memref<!tpu.dma_semaphore, #tpu.memory_space<semaphore_mem>>) src(%dma_wait3A_140 : memref<2048xi32, #tpu.memory_space<hbm>>) dst(%arg7 : memref<2048xi32, #tpu.memory_space<vmem>>)
    %dma_wait3A_141 = arith.constant 32 : i32
    %dma_wait3A_142 = arith.constant 0 : i32
    %dma_wait3A_143 = tpu.memref_slice %arg2[%dma_wait3A_141, %dma_wait3A_142] : memref<34x2048xi32, #tpu.memory_space<hbm>> -> memref<1x2048xi32, #tpu.memory_space<hbm>>
    %dma_wait3A_144 = tpu.memref_squeeze %dma_wait3A_143 : memref<1x2048xi32, #tpu.memory_space<hbm>> -> memref<2048xi32, #tpu.memory_space<hbm>>
    %dma_wait3A_145 = arith.constant 0 : i32
    %dma_wait3A_146 = tpu.memref_slice %arg2[%dma_wait3A_141, %dma_wait3A_145] : memref<34x2048xi32, #tpu.memory_space<hbm>> -> memref<1x2048xi32, #tpu.memory_space<hbm>>
    %dma_wait3A_147 = tpu.memref_squeeze %dma_wait3A_146 : memref<1x2048xi32, #tpu.memory_space<hbm>> -> memref<2048xi32, #tpu.memory_space<hbm>>
    tpu.wait_dma2 semaphore(%arg15 : memref<!tpu.dma_semaphore, #tpu.memory_space<semaphore_mem>>) src(%dma_wait3A_147 : memref<2048xi32, #tpu.memory_space<hbm>>) dst(%arg8 : memref<2048xi32, #tpu.memory_space<vmem>>)
    %dma_wait3A_148 = arith.constant 33 : i32
    %dma_wait3A_149 = arith.constant 0 : i32
    %dma_wait3A_150 = tpu.memref_slice %arg2[%dma_wait3A_148, %dma_wait3A_149] : memref<34x2048xi32, #tpu.memory_space<hbm>> -> memref<1x2048xi32, #tpu.memory_space<hbm>>
    %dma_wait3A_151 = tpu.memref_squeeze %dma_wait3A_150 : memref<1x2048xi32, #tpu.memory_space<hbm>> -> memref<2048xi32, #tpu.memory_space<hbm>>
    %dma_wait3A_152 = arith.constant 0 : i32
    %dma_wait3A_153 = tpu.memref_slice %arg2[%dma_wait3A_148, %dma_wait3A_152] : memref<34x2048xi32, #tpu.memory_space<hbm>> -> memref<1x2048xi32, #tpu.memory_space<hbm>>
    %dma_wait3A_154 = tpu.memref_squeeze %dma_wait3A_153 : memref<1x2048xi32, #tpu.memory_space<hbm>> -> memref<2048xi32, #tpu.memory_space<hbm>>
    tpu.wait_dma2 semaphore(%arg15 : memref<!tpu.dma_semaphore, #tpu.memory_space<semaphore_mem>>) src(%dma_wait3A_154 : memref<2048xi32, #tpu.memory_space<hbm>>) dst(%arg9 : memref<2048xi32, #tpu.memory_space<vmem>>)
    tpu.wait_dma2 semaphore(%arg15 : memref<!tpu.dma_semaphore, #tpu.memory_space<semaphore_mem>>) src(%arg3 : memref<1024xf32, #tpu.memory_space<hbm>>) dst(%arg10 : memref<1024xf32, #tpu.memory_space<vmem>>)
    %dma_wait3A_155 = arith.constant 0 : i32
    %dma_wait3A_156 = arith.constant 0 : i32
    %dma_wait3A_157 = tpu.memref_slice %arg4[%dma_wait3A_155, %dma_wait3A_156] : memref<2x1024xi32, #tpu.memory_space<hbm>> -> memref<1x1024xi32, #tpu.memory_space<hbm>>
    %dma_wait3A_158 = tpu.memref_squeeze %dma_wait3A_157 : memref<1x1024xi32, #tpu.memory_space<hbm>> -> memref<1024xi32, #tpu.memory_space<hbm>>
    %dma_wait3A_159 = arith.constant 0 : i32
    %dma_wait3A_160 = tpu.memref_slice %arg4[%dma_wait3A_155, %dma_wait3A_159] : memref<2x1024xi32, #tpu.memory_space<hbm>> -> memref<1x1024xi32, #tpu.memory_space<hbm>>
    %dma_wait3A_161 = tpu.memref_squeeze %dma_wait3A_160 : memref<1x1024xi32, #tpu.memory_space<hbm>> -> memref<1024xi32, #tpu.memory_space<hbm>>
    tpu.wait_dma2 semaphore(%arg15 : memref<!tpu.dma_semaphore, #tpu.memory_space<semaphore_mem>>) src(%dma_wait3A_161 : memref<1024xi32, #tpu.memory_space<hbm>>) dst(%arg11 : memref<1024xi32, #tpu.memory_space<vmem>>)
    %dma_wait3A_162 = arith.constant 1 : i32
    %dma_wait3A_163 = arith.constant 0 : i32
    %dma_wait3A_164 = tpu.memref_slice %arg4[%dma_wait3A_162, %dma_wait3A_163] : memref<2x1024xi32, #tpu.memory_space<hbm>> -> memref<1x1024xi32, #tpu.memory_space<hbm>>
    %dma_wait3A_165 = tpu.memref_squeeze %dma_wait3A_164 : memref<1x1024xi32, #tpu.memory_space<hbm>> -> memref<1024xi32, #tpu.memory_space<hbm>>
    %dma_wait3A_166 = arith.constant 0 : i32
    %dma_wait3A_167 = tpu.memref_slice %arg4[%dma_wait3A_162, %dma_wait3A_166] : memref<2x1024xi32, #tpu.memory_space<hbm>> -> memref<1x1024xi32, #tpu.memory_space<hbm>>
    %dma_wait3A_168 = tpu.memref_squeeze %dma_wait3A_167 : memref<1x1024xi32, #tpu.memory_space<hbm>> -> memref<1024xi32, #tpu.memory_space<hbm>>
    tpu.wait_dma2 semaphore(%arg15 : memref<!tpu.dma_semaphore, #tpu.memory_space<semaphore_mem>>) src(%dma_wait3A_168 : memref<1024xi32, #tpu.memory_space<hbm>>) dst(%arg12 : memref<1024xi32, #tpu.memory_space<vmem>>)
    %scan3A = arith.constant 0 : i32
    %scan3A_169 = arith.constant 0 : i32
    %scan3A_170 = arith.constant 128 : i32
    %scan3A_171 = arith.addi %scan3A_169, %scan3A_170 : i32
    %scan3A_172 = arith.constant 1 : i32
    scf.for %scan3A_183 = %scan3A_169 to %scan3A_171 step %scan3A_172  : i32 {
      %mul3A_184 = arith.constant 16 : i32
      %mul3A_185 = arith.muli %scan3A_183, %mul3A_184 : i32
      %get3A = arith.index_cast %mul3A_185 : i32 to index
      %get3A_186 = tpu.vector_load %arg9[%get3A] {strides = array<i32>} : memref<2048xi32, #tpu.memory_space<vmem>>, vector<16xi32>,
      %mul3A_187 = arith.constant 16 : i32
      %mul3A_188 = vector.broadcast %mul3A_187 : i32 to vector<16xi32>
      %mul3A_189 = arith.muli %get3A_186, %mul3A_188 : vector<16xi32>
      %add3A_190 = arith.addi %mul3A_189, %iota3A : vector<16xi32>
      %get3A_191 = arith.index_cast %mul3A_185 : i32 to index
      %get3A_192 = tpu.vector_load %arg7[%get3A_191] {strides = array<i32>} : memref<2048xi32, #tpu.memory_space<vmem>>, vector<16xi32>,
      %gather3A = tpu.vector_load_idx %arg13[%add3A_190] : memref<16384xi32, #tpu.memory_space<vmem>>[vector<16xi32>], vector<16xi32>,
      %xor3A = arith.xori %gather3A, %get3A_192 : vector<16xi32>
      tpu.vector_store_idx %arg13[%add3A_190], %xor3A : memref<16384xi32, #tpu.memory_space<vmem>>[vector<16xi32>], vector<16xi32>,
    }
    %scan3A_173 = arith.constant 128 : i32
    %scan3A_174 = arith.constant 0 : i32
    %scan3A_175 = arith.constant 0 : i32
    %scan3A_176 = arith.constant 64 : i32
    %scan3A_177 = arith.addi %scan3A_175, %scan3A_176 : i32
    %scan3A_178 = arith.constant 1 : i32
    scf.for %scan3A_183 = %scan3A_175 to %scan3A_177 step %scan3A_178  : i32 {
      %mul3A_184 = arith.constant 16 : i32
      %mul3A_185 = arith.muli %scan3A_183, %mul3A_184 : i32
      %get3A = arith.index_cast %mul3A_185 : i32 to index
      %get3A_186 = tpu.vector_load %arg10[%get3A] {strides = array<i32>} : memref<1024xf32, #tpu.memory_space<vmem>>, vector<16xf32>,
      %ge3A = arith.constant 5.000000e-01 : f32
      %ge3A_187 = vector.broadcast %ge3A : f32 to vector<16xf32>
      %ge3A_188 = arith.cmpf oge, %get3A_186, %ge3A_187 : vector<16xf32>
      %get3A_189 = arith.index_cast %mul3A_185 : i32 to index
      %get3A_190 = tpu.vector_load %arg11[%get3A_189] {strides = array<i32>} : memref<1024xi32, #tpu.memory_space<vmem>>, vector<16xi32>,
      %jit3A = arith.constant 1024 : i32
      %broadcast_in_dim3A_191 = vector.broadcast %jit3A : i32 to vector<16xi32>
      %select_n3A = arith.select %ge3A_188, %get3A_190, %broadcast_in_dim3A_191 : vector<16xi1>, vector<16xi32>
      %get3A_192 = arith.index_cast %mul3A_185 : i32 to index
      %get3A_193 = tpu.vector_load %arg12[%get3A_192] {strides = array<i32>} : memref<1024xi32, #tpu.memory_space<vmem>>, vector<16xi32>,
      %mul3A_194 = arith.constant 16 : i32
      %mul3A_195 = vector.broadcast %mul3A_194 : i32 to vector<16xi32>
      %mul3A_196 = arith.muli %get3A_193, %mul3A_195 : vector<16xi32>
      %mul3A_197 = arith.constant 16 : i32
      %mul3A_198 = vector.broadcast %mul3A_197 : i32 to vector<16xi32>
      %mul3A_199 = arith.muli %select_n3A, %mul3A_198 : vector<16xi32>
      %add3A_200 = arith.addi %mul3A_199, %iota3A : vector<16xi32>
      %add3A_201 = arith.addi %mul3A_196, %and3A_39 : vector<16xi32>
      %gather3A = tpu.vector_load_idx %arg13[%add3A_201] : memref<16384xi32, #tpu.memory_space<vmem>>[vector<16xi32>], vector<16xi32>,
      %add3A_202 = arith.addi %mul3A_196, %and3A_45 : vector<16xi32>
      %gather3A_203 = tpu.vector_load_idx %arg13[%add3A_202] : memref<16384xi32, #tpu.memory_space<vmem>>[vector<16xi32>], vector<16xi32>,
      %xor3A = arith.xori %gather3A, %gather3A_203 : vector<16xi32>
      %add3A_204 = arith.addi %mul3A_196, %and3A_51 : vector<16xi32>
      %gather3A_205 = tpu.vector_load_idx %arg13[%add3A_204] : memref<16384xi32, #tpu.memory_space<vmem>>[vector<16xi32>], vector<16xi32>,
      %xor3A_206 = arith.xori %xor3A, %gather3A_205 : vector<16xi32>
      %add3A_207 = arith.addi %mul3A_196, %and3A_57 : vector<16xi32>
      %gather3A_208 = tpu.vector_load_idx %arg13[%add3A_207] : memref<16384xi32, #tpu.memory_space<vmem>>[vector<16xi32>], vector<16xi32>,
      %xor3A_209 = arith.xori %xor3A_206, %gather3A_208 : vector<16xi32>
      %add3A_210 = arith.addi %mul3A_196, %and3A_63 : vector<16xi32>
      %gather3A_211 = tpu.vector_load_idx %arg13[%add3A_210] : memref<16384xi32, #tpu.memory_space<vmem>>[vector<16xi32>], vector<16xi32>,
      %xor3A_212 = arith.xori %xor3A_209, %gather3A_211 : vector<16xi32>
      %add3A_213 = arith.addi %mul3A_196, %and3A_69 : vector<16xi32>
      %gather3A_214 = tpu.vector_load_idx %arg13[%add3A_213] : memref<16384xi32, #tpu.memory_space<vmem>>[vector<16xi32>], vector<16xi32>,
      %xor3A_215 = arith.xori %xor3A_212, %gather3A_214 : vector<16xi32>
      %add3A_216 = arith.addi %mul3A_196, %and3A_75 : vector<16xi32>
      %gather3A_217 = tpu.vector_load_idx %arg13[%add3A_216] : memref<16384xi32, #tpu.memory_space<vmem>>[vector<16xi32>], vector<16xi32>,
      %xor3A_218 = arith.xori %xor3A_215, %gather3A_217 : vector<16xi32>
      %add3A_219 = arith.addi %mul3A_196, %and3A_81 : vector<16xi32>
      %gather3A_220 = tpu.vector_load_idx %arg13[%add3A_219] : memref<16384xi32, #tpu.memory_space<vmem>>[vector<16xi32>], vector<16xi32>,
      %xor3A_221 = arith.xori %xor3A_218, %gather3A_220 : vector<16xi32>
      %add3A_222 = arith.addi %mul3A_196, %and3A_87 : vector<16xi32>
      %gather3A_223 = tpu.vector_load_idx %arg13[%add3A_222] : memref<16384xi32, #tpu.memory_space<vmem>>[vector<16xi32>], vector<16xi32>,
      %xor3A_224 = arith.xori %xor3A_221, %gather3A_223 : vector<16xi32>
      %add3A_225 = arith.addi %mul3A_196, %and3A_93 : vector<16xi32>
      %gather3A_226 = tpu.vector_load_idx %arg13[%add3A_225] : memref<16384xi32, #tpu.memory_space<vmem>>[vector<16xi32>], vector<16xi32>,
      %xor3A_227 = arith.xori %xor3A_224, %gather3A_226 : vector<16xi32>
      %add3A_228 = arith.addi %mul3A_196, %and3A_99 : vector<16xi32>
      %gather3A_229 = tpu.vector_load_idx %arg13[%add3A_228] : memref<16384xi32, #tpu.memory_space<vmem>>[vector<16xi32>], vector<16xi32>,
      %xor3A_230 = arith.xori %xor3A_227, %gather3A_229 : vector<16xi32>
      %add3A_231 = arith.addi %mul3A_196, %and3A_105 : vector<16xi32>
      %gather3A_232 = tpu.vector_load_idx %arg13[%add3A_231] : memref<16384xi32, #tpu.memory_space<vmem>>[vector<16xi32>], vector<16xi32>,
      %xor3A_233 = arith.xori %xor3A_230, %gather3A_232 : vector<16xi32>
      %add3A_234 = arith.addi %mul3A_196, %and3A_111 : vector<16xi32>
      %gather3A_235 = tpu.vector_load_idx %arg13[%add3A_234] : memref<16384xi32, #tpu.memory_space<vmem>>[vector<16xi32>], vector<16xi32>,
      %xor3A_236 = arith.xori %xor3A_233, %gather3A_235 : vector<16xi32>
      %add3A_237 = arith.addi %mul3A_196, %and3A_117 : vector<16xi32>
      %gather3A_238 = tpu.vector_load_idx %arg13[%add3A_237] : memref<16384xi32, #tpu.memory_space<vmem>>[vector<16xi32>], vector<16xi32>,
      %xor3A_239 = arith.xori %xor3A_236, %gather3A_238 : vector<16xi32>
      %add3A_240 = arith.addi %mul3A_196, %and3A_123 : vector<16xi32>
      %gather3A_241 = tpu.vector_load_idx %arg13[%add3A_240] : memref<16384xi32, #tpu.memory_space<vmem>>[vector<16xi32>], vector<16xi32>,
      %xor3A_242 = arith.xori %xor3A_239, %gather3A_241 : vector<16xi32>
      %add3A_243 = arith.addi %mul3A_196, %and3A_129 : vector<16xi32>
      %gather3A_244 = tpu.vector_load_idx %arg13[%add3A_243] : memref<16384xi32, #tpu.memory_space<vmem>>[vector<16xi32>], vector<16xi32>,
      %xor3A_245 = arith.xori %xor3A_242, %gather3A_244 : vector<16xi32>
      %gather3A_246 = tpu.vector_load_idx %arg14[%add3A_200] : memref<16400xi32, #tpu.memory_space<vmem>>[vector<16xi32>], vector<16xi32>,
      %xor3A_247 = arith.xori %gather3A_246, %xor3A_245 : vector<16xi32>
      tpu.vector_store_idx %arg14[%add3A_200], %xor3A_247 : memref<16400xi32, #tpu.memory_space<vmem>>[vector<16xi32>], vector<16xi32>,
    }
    %scan3A_179 = arith.constant 64 : i32
    %parallel_loop3A_180 = arith.constant 0 : i32
    %parallel_loop3A_181 = arith.constant 128 : i32
    %parallel_loop3A_182 = arith.constant 1 : i32
    scf.for %parallel_loop3A_183 = %parallel_loop3A_180 to %parallel_loop3A_181 step %parallel_loop3A_182  : i32 {
      %parallel_loop3A_184 = arith.constant 16 : i32
      %parallel_loop3A_185 = arith.muli %parallel_loop3A_183, %parallel_loop3A_184 : i32
      %parallel_loop3A_186 = arith.index_cast %parallel_loop3A_185 : i32 to index
      %parallel_loop3A_187 = tpu.vector_load %arg8[%parallel_loop3A_186] {strides = array<i32>} : memref<2048xi32, #tpu.memory_space<vmem>>, vector<16xi32>,
      %parallel_loop3A_188 = arith.constant 16 : i32
      %parallel_loop3A_189 = vector.broadcast %parallel_loop3A_188 : i32 to vector<16xi32>
      %parallel_loop3A_190 = arith.muli %parallel_loop3A_187, %parallel_loop3A_189 : vector<16xi32>
      %parallel_loop3A_191 = arith.addi %parallel_loop3A_190, %and3A_39 : vector<16xi32>
      %parallel_loop3A_192 = tpu.vector_load_idx %arg14[%parallel_loop3A_191] : memref<16400xi32, #tpu.memory_space<vmem>>[vector<16xi32>], vector<16xi32>,
      %parallel_loop3A_193 = arith.addi %parallel_loop3A_190, %and3A_45 : vector<16xi32>
      %parallel_loop3A_194 = tpu.vector_load_idx %arg14[%parallel_loop3A_193] : memref<16400xi32, #tpu.memory_space<vmem>>[vector<16xi32>], vector<16xi32>,
      %parallel_loop3A_195 = arith.xori %parallel_loop3A_192, %parallel_loop3A_194 : vector<16xi32>
      %parallel_loop3A_196 = arith.addi %parallel_loop3A_190, %and3A_51 : vector<16xi32>
      %parallel_loop3A_197 = tpu.vector_load_idx %arg14[%parallel_loop3A_196] : memref<16400xi32, #tpu.memory_space<vmem>>[vector<16xi32>], vector<16xi32>,
      %parallel_loop3A_198 = arith.xori %parallel_loop3A_195, %parallel_loop3A_197 : vector<16xi32>
      %parallel_loop3A_199 = arith.addi %parallel_loop3A_190, %and3A_57 : vector<16xi32>
      %parallel_loop3A_200 = tpu.vector_load_idx %arg14[%parallel_loop3A_199] : memref<16400xi32, #tpu.memory_space<vmem>>[vector<16xi32>], vector<16xi32>,
      %parallel_loop3A_201 = arith.xori %parallel_loop3A_198, %parallel_loop3A_200 : vector<16xi32>
      %parallel_loop3A_202 = arith.addi %parallel_loop3A_190, %and3A_63 : vector<16xi32>
      %parallel_loop3A_203 = tpu.vector_load_idx %arg14[%parallel_loop3A_202] : memref<16400xi32, #tpu.memory_space<vmem>>[vector<16xi32>], vector<16xi32>,
      %parallel_loop3A_204 = arith.xori %parallel_loop3A_201, %parallel_loop3A_203 : vector<16xi32>
      %parallel_loop3A_205 = arith.addi %parallel_loop3A_190, %and3A_69 : vector<16xi32>
      %parallel_loop3A_206 = tpu.vector_load_idx %arg14[%parallel_loop3A_205] : memref<16400xi32, #tpu.memory_space<vmem>>[vector<16xi32>], vector<16xi32>,
      %parallel_loop3A_207 = arith.xori %parallel_loop3A_204, %parallel_loop3A_206 : vector<16xi32>
      %parallel_loop3A_208 = arith.addi %parallel_loop3A_190, %and3A_75 : vector<16xi32>
      %parallel_loop3A_209 = tpu.vector_load_idx %arg14[%parallel_loop3A_208] : memref<16400xi32, #tpu.memory_space<vmem>>[vector<16xi32>], vector<16xi32>,
      %parallel_loop3A_210 = arith.xori %parallel_loop3A_207, %parallel_loop3A_209 : vector<16xi32>
      %parallel_loop3A_211 = arith.addi %parallel_loop3A_190, %and3A_81 : vector<16xi32>
      %parallel_loop3A_212 = tpu.vector_load_idx %arg14[%parallel_loop3A_211] : memref<16400xi32, #tpu.memory_space<vmem>>[vector<16xi32>], vector<16xi32>,
      %parallel_loop3A_213 = arith.xori %parallel_loop3A_210, %parallel_loop3A_212 : vector<16xi32>
      %parallel_loop3A_214 = arith.addi %parallel_loop3A_190, %and3A_87 : vector<16xi32>
      %parallel_loop3A_215 = tpu.vector_load_idx %arg14[%parallel_loop3A_214] : memref<16400xi32, #tpu.memory_space<vmem>>[vector<16xi32>], vector<16xi32>,
      %parallel_loop3A_216 = arith.xori %parallel_loop3A_213, %parallel_loop3A_215 : vector<16xi32>
      %parallel_loop3A_217 = arith.addi %parallel_loop3A_190, %and3A_93 : vector<16xi32>
      %parallel_loop3A_218 = tpu.vector_load_idx %arg14[%parallel_loop3A_217] : memref<16400xi32, #tpu.memory_space<vmem>>[vector<16xi32>], vector<16xi32>,
      %parallel_loop3A_219 = arith.xori %parallel_loop3A_216, %parallel_loop3A_218 : vector<16xi32>
      %parallel_loop3A_220 = arith.addi %parallel_loop3A_190, %and3A_99 : vector<16xi32>
      %parallel_loop3A_221 = tpu.vector_load_idx %arg14[%parallel_loop3A_220] : memref<16400xi32, #tpu.memory_space<vmem>>[vector<16xi32>], vector<16xi32>,
      %parallel_loop3A_222 = arith.xori %parallel_loop3A_219, %parallel_loop3A_221 : vector<16xi32>
      %parallel_loop3A_223 = arith.addi %parallel_loop3A_190, %and3A_105 : vector<16xi32>
      %parallel_loop3A_224 = tpu.vector_load_idx %arg14[%parallel_loop3A_223] : memref<16400xi32, #tpu.memory_space<vmem>>[vector<16xi32>], vector<16xi32>,
      %parallel_loop3A_225 = arith.xori %parallel_loop3A_222, %parallel_loop3A_224 : vector<16xi32>
      %parallel_loop3A_226 = arith.addi %parallel_loop3A_190, %and3A_111 : vector<16xi32>
      %parallel_loop3A_227 = tpu.vector_load_idx %arg14[%parallel_loop3A_226] : memref<16400xi32, #tpu.memory_space<vmem>>[vector<16xi32>], vector<16xi32>,
      %parallel_loop3A_228 = arith.xori %parallel_loop3A_225, %parallel_loop3A_227 : vector<16xi32>
      %parallel_loop3A_229 = arith.addi %parallel_loop3A_190, %and3A_117 : vector<16xi32>
      %parallel_loop3A_230 = tpu.vector_load_idx %arg14[%parallel_loop3A_229] : memref<16400xi32, #tpu.memory_space<vmem>>[vector<16xi32>], vector<16xi32>,
      %parallel_loop3A_231 = arith.xori %parallel_loop3A_228, %parallel_loop3A_230 : vector<16xi32>
      %parallel_loop3A_232 = arith.addi %parallel_loop3A_190, %and3A_123 : vector<16xi32>
      %parallel_loop3A_233 = tpu.vector_load_idx %arg14[%parallel_loop3A_232] : memref<16400xi32, #tpu.memory_space<vmem>>[vector<16xi32>], vector<16xi32>,
      %parallel_loop3A_234 = arith.xori %parallel_loop3A_231, %parallel_loop3A_233 : vector<16xi32>
      %parallel_loop3A_235 = arith.addi %parallel_loop3A_190, %and3A_129 : vector<16xi32>
      %parallel_loop3A_236 = tpu.vector_load_idx %arg14[%parallel_loop3A_235] : memref<16400xi32, #tpu.memory_space<vmem>>[vector<16xi32>], vector<16xi32>,
      %parallel_loop3A_237 = arith.xori %parallel_loop3A_234, %parallel_loop3A_236 : vector<16xi32>
      %parallel_loop3A_238 = arith.index_cast %parallel_loop3A_185 : i32 to index
      %parallel_loop3A_239 = tpu.vector_load %arg6[%parallel_loop3A_238] {strides = array<i32>} : memref<2048xi32, #tpu.memory_space<vmem>>, vector<16xi32>,
      tpu.vector_store %arg6[%parallel_loop3A_238], %parallel_loop3A_237 {strides = array<i32>} : memref<2048xi32, #tpu.memory_space<vmem>>, vector<16xi32>,
    } {sc.loop_unroll_factor = 2 : i64, sc.parallel_access}
    "tpu.region"() ({
      %run_scoped3A = tpu.sem_alloc : memref<!tpu.dma_semaphore, #tpu.memory_space<semaphore_mem>>
      %dma_start3A_183 = arith.constant 0 : i32
      %dma_start3A_184 = tpu.memref_slice %arg5[%add3A, %dma_start3A_183] : memref<32x2048xi32, #tpu.memory_space<hbm>> -> memref<1x2048xi32, #tpu.memory_space<hbm>>
      %dma_start3A_185 = tpu.memref_squeeze %dma_start3A_184 : memref<1x2048xi32, #tpu.memory_space<hbm>> -> memref<2048xi32, #tpu.memory_space<hbm>>
      %dma_start3A_186 = arith.constant 0 : i32
      %dma_start3A_187 = tpu.memref_slice %arg5[%add3A, %dma_start3A_186] : memref<32x2048xi32, #tpu.memory_space<hbm>> -> memref<1x2048xi32, #tpu.memory_space<hbm>>
      %dma_start3A_188 = tpu.memref_squeeze %dma_start3A_187 : memref<1x2048xi32, #tpu.memory_space<hbm>> -> memref<2048xi32, #tpu.memory_space<hbm>>
      tpu.enqueue_dma source(%arg6 : memref<2048xi32, #tpu.memory_space<vmem>>) target(%dma_start3A_188 : memref<2048xi32, #tpu.memory_space<hbm>>) target_semaphore(%run_scoped3A : memref<!tpu.dma_semaphore, #tpu.memory_space<semaphore_mem>>)
      %dma_wait3A_189 = arith.constant 0 : i32
      %dma_wait3A_190 = tpu.memref_slice %arg5[%add3A, %dma_wait3A_189] : memref<32x2048xi32, #tpu.memory_space<hbm>> -> memref<1x2048xi32, #tpu.memory_space<hbm>>
      %dma_wait3A_191 = tpu.memref_squeeze %dma_wait3A_190 : memref<1x2048xi32, #tpu.memory_space<hbm>> -> memref<2048xi32, #tpu.memory_space<hbm>>
      %dma_wait3A_192 = arith.constant 0 : i32
      %dma_wait3A_193 = tpu.memref_slice %arg5[%add3A, %dma_wait3A_192] : memref<32x2048xi32, #tpu.memory_space<hbm>> -> memref<1x2048xi32, #tpu.memory_space<hbm>>
      %dma_wait3A_194 = tpu.memref_squeeze %dma_wait3A_193 : memref<1x2048xi32, #tpu.memory_space<hbm>> -> memref<2048xi32, #tpu.memory_space<hbm>>
      tpu.wait_dma2 semaphore(%run_scoped3A : memref<!tpu.dma_semaphore, #tpu.memory_space<semaphore_mem>>) src(%arg6 : memref<2048xi32, #tpu.memory_space<vmem>>) dst(%dma_wait3A_194 : memref<2048xi32, #tpu.memory_space<hbm>>)
      tpu.yield
    }) : () -> ()
    return
  }
}

module attributes {stable_mosaic.version = 14 : i64} {
  func.func @_addr_body(%arg0: memref<2048x512xf32, #tpu.memory_space<vmem>>, %arg1: memref<10x1xi32, #tpu.memory_space<vmem>>, %arg2: memref<34x2048xi32, #tpu.memory_space<vmem>>, %arg3: memref<2x1024xi32, #tpu.memory_space<vmem>>) attributes {dimension_semantics = [], scalar_prefetch = 0 : i64, scratch_operands = 0 : i64, tpu.core_type = #tpu.core_type<tc>} {
    %get3A = arith.constant 0 : index
    %get3A_0 = arith.constant 0 : index
    %get3A_1 = vector.load %arg1[%get3A, %get3A_0] : memref<10x1xi32, #tpu.memory_space<vmem>>, vector<10x1xi32>
    %iota3A = tpu.iota {dimensions = array<i32: 0>} : vector<10x1xi32>
    %shift_left3A = arith.constant 1 : i32
    %shift_left3A_2 = vector.broadcast %shift_left3A : i32 to vector<10x1xi32>
    %shift_left3A_3 = arith.shli %shift_left3A_2, %iota3A : vector<10x1xi32>
    %lt3A = arith.constant 512 : i32
    %lt3A_4 = vector.broadcast %lt3A : i32 to vector<10x1xi32>
    %lt3A_5 = arith.cmpi slt, %get3A_1, %lt3A_4 : vector<10x1xi32>
    %iota3A_6 = tpu.iota {dimensions = array<i32: 1>} : vector<10x512xi32>
    %eq3A = vector.broadcast %get3A_1 : vector<10x1xi32> to vector<10x512xi32>
    %eq3A_7 = arith.cmpi eq, %iota3A_6, %eq3A : vector<10x512xi32>
    %and3A = vector.broadcast %lt3A_5 : vector<10x1xi1> to vector<10x512xi1>
    %and3A_8 = arith.andi %eq3A_7, %and3A : vector<10x512xi1>
    %jit3A = arith.constant 0 : i32
    %broadcast_in_dim3A = vector.shape_cast %shift_left3A_3 : vector<10x1xi32> to vector<10x1xi32>
    %broadcast_in_dim3A_9 = vector.broadcast %broadcast_in_dim3A : vector<10x1xi32> to vector<10x512xi32>
    %broadcast_in_dim3A_10 = vector.broadcast %jit3A : i32 to vector<10x512xi32>
    %select_n3A = arith.select %and3A_8, %broadcast_in_dim3A_9, %broadcast_in_dim3A_10 : vector<10x512xi1>, vector<10x512xi32>
    %reduce_sum3A = arith.constant dense<0> : vector<512xi32>
    %reduce_sum3A_11 = vector.multi_reduction <add>, %select_n3A, %reduce_sum3A [0] : vector<10x512xi32> to vector<512xi32>
    %broadcast_in_dim3A_12 = vector.shape_cast %reduce_sum3A_11 : vector<512xi32> to vector<1x512xi32>
    %sub3A = arith.constant 512 : i32
    %sub3A_13 = vector.broadcast %sub3A : i32 to vector<10x1xi32>
    %sub3A_14 = arith.subi %get3A_1, %sub3A_13 : vector<10x1xi32>
    %eq3A_15 = vector.broadcast %sub3A_14 : vector<10x1xi32> to vector<10x512xi32>
    %eq3A_16 = arith.cmpi eq, %iota3A_6, %eq3A_15 : vector<10x512xi32>
    %not3A = arith.constant dense<true> : vector<10x1xi1>
    %not3A_17 = arith.xori %lt3A_5, %not3A : vector<10x1xi1>
    %and3A_18 = vector.broadcast %not3A_17 : vector<10x1xi1> to vector<10x512xi1>
    %and3A_19 = arith.andi %eq3A_16, %and3A_18 : vector<10x512xi1>
    %jit3A_20 = arith.constant 0 : i32
    %broadcast_in_dim3A_21 = vector.shape_cast %shift_left3A_3 : vector<10x1xi32> to vector<10x1xi32>
    %broadcast_in_dim3A_22 = vector.broadcast %broadcast_in_dim3A_21 : vector<10x1xi32> to vector<10x512xi32>
    %broadcast_in_dim3A_23 = vector.broadcast %jit3A_20 : i32 to vector<10x512xi32>
    %select_n3A_24 = arith.select %and3A_19, %broadcast_in_dim3A_22, %broadcast_in_dim3A_23 : vector<10x512xi1>, vector<10x512xi32>
    %reduce_sum3A_25 = arith.constant dense<0> : vector<512xi32>
    %reduce_sum3A_26 = vector.multi_reduction <add>, %select_n3A_24, %reduce_sum3A_25 [0] : vector<10x512xi32> to vector<512xi32>
    %broadcast_in_dim3A_27 = vector.shape_cast %reduce_sum3A_26 : vector<512xi32> to vector<1x512xi32>
    %iota3A_28 = tpu.iota {dimensions = array<i32: 1>} : vector<32x512xi32>
    %iota3A_29 = tpu.iota {dimensions = array<i32: 0>} : vector<32x512xi32>
    %jit3A_30 = arith.constant 32 : i32
    %eq3A_31 = arith.constant 0 : i32
    %eq3A_32 = arith.cmpi eq, %jit3A_30, %eq3A_31 : i32
    %jit3A_33 = arith.constant 1 : i32
    %select_n3A_34 = arith.select %eq3A_32, %jit3A_33, %jit3A_30 : i32
    %rem3A = vector.broadcast %select_n3A_34 : i32 to vector<32x512xi32>
    %rem3A_35 = arith.remsi %iota3A_28, %rem3A : vector<32x512xi32>
    %ne3A = arith.constant 0 : i32
    %ne3A_36 = vector.broadcast %ne3A : i32 to vector<32x512xi32>
    %ne3A_37 = arith.cmpi ne, %rem3A_35, %ne3A_36 : vector<32x512xi32>
    %lt3A_38 = arith.constant 0 : i32
    %lt3A_39 = vector.broadcast %lt3A_38 : i32 to vector<32x512xi32>
    %lt3A_40 = arith.cmpi slt, %rem3A_35, %lt3A_39 : vector<32x512xi32>
    %lt3A_41 = arith.constant 0 : i32
    %lt3A_42 = arith.cmpi slt, %select_n3A_34, %lt3A_41 : i32
    %ne3A_43 = vector.broadcast %lt3A_42 : i1 to vector<32x512xi1>
    %ne3A_44 = vector.broadcast %ne3A_43 : vector<32x512xi1> to vector<32x512xi1>
    %ne3A_45 = arith.xori %lt3A_40, %ne3A_44 : vector<32x512xi1>
    %and3A_46 = arith.andi %ne3A_45, %ne3A_37 : vector<32x512xi1>
    %add3A = vector.broadcast %select_n3A_34 : i32 to vector<32x512xi32>
    %add3A_47 = arith.addi %rem3A_35, %add3A : vector<32x512xi32>
    %select_n3A_48 = arith.select %and3A_46, %add3A_47, %rem3A_35 : vector<32x512xi1>, vector<32x512xi32>
    %eq3A_49 = arith.cmpi eq, %select_n3A_48, %iota3A_29 : vector<32x512xi32>
    %jit3A_50 = arith.constant 32 : i32
    %div3A = vector.broadcast %jit3A_50 : i32 to vector<32x512xi32>
    %div3A_51 = arith.divsi %iota3A_28, %div3A : vector<32x512xi32>
    %sign3A = arith.constant 0 : i32
    %sign3A_52 = vector.broadcast %sign3A : i32 to vector<32x512xi32>
    %sign3A_53 = arith.cmpi sgt, %iota3A_28, %sign3A_52 : vector<32x512xi32>
    %sign3A_54 = arith.extui %sign3A_53 : vector<32x512xi1> to vector<32x512xi32>
    %sign3A_55 = arith.constant 0 : i32
    %sign3A_56 = vector.broadcast %sign3A_55 : i32 to vector<32x512xi32>
    %sign3A_57 = arith.cmpi slt, %iota3A_28, %sign3A_56 : vector<32x512xi32>
    %sign3A_58 = arith.extui %sign3A_57 : vector<32x512xi1> to vector<32x512xi32>
    %sign3A_59 = arith.subi %sign3A_54, %sign3A_58 : vector<32x512xi32>
    %sign3A_60 = arith.constant 0 : i32
    %sign3A_61 = arith.cmpi sgt, %jit3A_50, %sign3A_60 : i32
    %sign3A_62 = arith.extui %sign3A_61 : i1 to i32
    %sign3A_63 = arith.constant 0 : i32
    %sign3A_64 = arith.cmpi slt, %jit3A_50, %sign3A_63 : i32
    %sign3A_65 = arith.extui %sign3A_64 : i1 to i32
    %sign3A_66 = arith.subi %sign3A_62, %sign3A_65 : i32
    %ne3A_67 = vector.broadcast %sign3A_66 : i32 to vector<32x512xi32>
    %ne3A_68 = arith.cmpi ne, %sign3A_59, %ne3A_67 : vector<32x512xi32>
    %rem3A_69 = vector.broadcast %jit3A_50 : i32 to vector<32x512xi32>
    %rem3A_70 = arith.remsi %iota3A_28, %rem3A_69 : vector<32x512xi32>
    %ne3A_71 = arith.constant 0 : i32
    %ne3A_72 = vector.broadcast %ne3A_71 : i32 to vector<32x512xi32>
    %ne3A_73 = arith.cmpi ne, %rem3A_70, %ne3A_72 : vector<32x512xi32>
    %and3A_74 = arith.andi %ne3A_68, %ne3A_73 : vector<32x512xi1>
    %sub3A_75 = arith.constant 1 : i32
    %sub3A_76 = vector.broadcast %sub3A_75 : i32 to vector<32x512xi32>
    %sub3A_77 = arith.subi %div3A_51, %sub3A_76 : vector<32x512xi32>
    %select_n3A_78 = arith.select %and3A_74, %sub3A_77, %div3A_51 : vector<32x512xi1>, vector<32x512xi32>
    %shift_left3A_79 = arith.constant 1 : i32
    %shift_left3A_80 = vector.broadcast %shift_left3A_79 : i32 to vector<32x512xi32>
    %shift_left3A_81 = arith.shli %shift_left3A_80, %select_n3A_78 : vector<32x512xi32>
    %jit3A_82 = arith.constant 0 : i32
    %broadcast_in_dim3A_83 = vector.broadcast %jit3A_82 : i32 to vector<32x512xi32>
    %select_n3A_84 = arith.select %eq3A_49, %shift_left3A_81, %broadcast_in_dim3A_83 : vector<32x512xi1>, vector<32x512xi32>
    %concatenate3A = tpu.concatenate %select_n3A_84, %broadcast_in_dim3A_12, %broadcast_in_dim3A_27 in 0 : vector<32x512xi32>, vector<1x512xi32>, vector<1x512xi32> -> vector<34x512xi32>
    %convert_element_type3A = arith.sitofp %concatenate3A : vector<34x512xi32> to vector<34x512xf32>
    %get3A_85 = arith.constant 0 : index
    %get3A_86 = arith.constant 0 : index
    %get3A_87 = vector.load %arg0[%get3A_85, %get3A_86] : memref<2048x512xf32, #tpu.memory_space<vmem>>, vector<2048x512xf32>
    %dot_general3A = arith.constant dense<0.000000e+00> : vector<34x2048xf32>
    %dot_general3A_88 = tpu.matmul %convert_element_type3A, %get3A_87, %dot_general3A {dimension_numbers = #tpu.dot_dimension_numbers<[1], [1], [0], [0], [0, 0, 1, 0], [], []>, transpose_lhs_hint = false} : vector<34x512xf32>, vector<2048x512xf32>, vector<34x2048xf32> -> vector<34x2048xf32>
    %convert_element_type3A_89 = arith.fptosi %dot_general3A_88 : vector<34x2048xf32> to vector<34x2048xi32>
    %swap3A = arith.constant 0 : index
    %swap3A_90 = arith.constant 0 : index
    %swap3A_91 = vector.load %arg2[%swap3A, %swap3A_90] : memref<34x2048xi32, #tpu.memory_space<vmem>>, vector<34x2048xi32>
    tpu.vector_store %arg2[%swap3A, %swap3A_90], %convert_element_type3A_89 {strides = array<i32>} : memref<34x2048xi32, #tpu.memory_space<vmem>>, vector<34x2048xi32>,
    %jit3A_92 = arith.constant 0 : i32
    %broadcast_in_dim3A_93 = vector.broadcast %jit3A_92 : i32 to vector<10x1xi32>
    %select_n3A_94 = arith.select %lt3A_5, %shift_left3A_3, %broadcast_in_dim3A_93 : vector<10x1xi1>, vector<10x1xi32>
    %reduce_sum3A_95 = vector.shape_cast %select_n3A_94 : vector<10x1xi32> to vector<1x10x1xi32>
    %reduce_sum3A_96 = arith.constant dense<0> : vector<1xi32>
    %reduce_sum3A_97 = vector.multi_reduction <add>, %reduce_sum3A_95, %reduce_sum3A_96 [1, 2] : vector<1x10x1xi32> to vector<1xi32>
    %reduce_sum3A_98 = vector.shape_cast %reduce_sum3A_97 : vector<1xi32> to vector<1x1x1xi32>
    %reduce_sum3A_99 = vector.extract %reduce_sum3A_98[0, 0, 0] : i32 from vector<1x1x1xi32>
    %iota3A_100 = tpu.iota {dimensions = array<i32: 1>} : vector<1x1024xi32>
    %and3A_101 = vector.broadcast %reduce_sum3A_99 : i32 to vector<1x1024xi32>
    %and3A_102 = arith.andi %iota3A_100, %and3A_101 : vector<1x1024xi32>
    %swap3A_103 = arith.constant 0 : index
    %swap3A_104 = arith.constant 0 : index
    %swap3A_105 = vector.load %arg3[%swap3A_103, %swap3A_104] : memref<2x1024xi32, #tpu.memory_space<vmem>>, vector<1x1024xi32>
    tpu.vector_store %arg3[%swap3A_103, %swap3A_104], %and3A_102 {strides = array<i32>} : memref<2x1024xi32, #tpu.memory_space<vmem>>, vector<1x1024xi32>,
    %sub3A_106 = arith.subi %iota3A_100, %and3A_102 : vector<1x1024xi32>
    %swap3A_107 = arith.constant 1 : index
    %swap3A_108 = arith.constant 0 : index
    %swap3A_109 = vector.load %arg3[%swap3A_107, %swap3A_108] : memref<2x1024xi32, #tpu.memory_space<vmem>>, vector<1x1024xi32>
    tpu.vector_store %arg3[%swap3A_107, %swap3A_108], %sub3A_106 {strides = array<i32>} : memref<2x1024xi32, #tpu.memory_space<vmem>>, vector<1x1024xi32>,
    return
  }
}

module attributes {stable_mosaic.version = 14 : i64} {
  func.func @_unpack_body(%arg0: memref<32x2048xi32, #tpu.memory_space<vmem>>, %arg1: memref<2048x512xf32, #tpu.memory_space<vmem>>) attributes {dimension_semantics = [], scalar_prefetch = 0 : i64, scratch_operands = 0 : i64, tpu.core_type = #tpu.core_type<tc>} {
    %get3A = arith.constant 0 : index
    %get3A_0 = arith.constant 0 : index
    %get3A_1 = vector.load %arg0[%get3A, %get3A_0] : memref<32x2048xi32, #tpu.memory_space<vmem>>, vector<32x2048xi32>
    %transpose3A = tpu.transpose %get3A_1, [1, 0] : vector<32x2048xi32> -> vector<2048x32xi32>
    %shift_right_arithmetic3A = arith.constant 0 : i32
    %shift_right_arithmetic3A_2 = vector.broadcast %shift_right_arithmetic3A : i32 to vector<2048x32xi32>
    %shift_right_arithmetic3A_3 = arith.shrsi %transpose3A, %shift_right_arithmetic3A_2 : vector<2048x32xi32>
    %and3A = arith.constant 1 : i32
    %and3A_4 = vector.broadcast %and3A : i32 to vector<2048x32xi32>
    %and3A_5 = arith.andi %shift_right_arithmetic3A_3, %and3A_4 : vector<2048x32xi32>
    %convert_element_type3A = arith.sitofp %and3A_5 : vector<2048x32xi32> to vector<2048x32xf32>
    %shift_right_arithmetic3A_6 = arith.constant 1 : i32
    %shift_right_arithmetic3A_7 = vector.broadcast %shift_right_arithmetic3A_6 : i32 to vector<2048x32xi32>
    %shift_right_arithmetic3A_8 = arith.shrsi %transpose3A, %shift_right_arithmetic3A_7 : vector<2048x32xi32>
    %and3A_9 = arith.constant 1 : i32
    %and3A_10 = vector.broadcast %and3A_9 : i32 to vector<2048x32xi32>
    %and3A_11 = arith.andi %shift_right_arithmetic3A_8, %and3A_10 : vector<2048x32xi32>
    %convert_element_type3A_12 = arith.sitofp %and3A_11 : vector<2048x32xi32> to vector<2048x32xf32>
    %shift_right_arithmetic3A_13 = arith.constant 2 : i32
    %shift_right_arithmetic3A_14 = vector.broadcast %shift_right_arithmetic3A_13 : i32 to vector<2048x32xi32>
    %shift_right_arithmetic3A_15 = arith.shrsi %transpose3A, %shift_right_arithmetic3A_14 : vector<2048x32xi32>
    %and3A_16 = arith.constant 1 : i32
    %and3A_17 = vector.broadcast %and3A_16 : i32 to vector<2048x32xi32>
    %and3A_18 = arith.andi %shift_right_arithmetic3A_15, %and3A_17 : vector<2048x32xi32>
    %convert_element_type3A_19 = arith.sitofp %and3A_18 : vector<2048x32xi32> to vector<2048x32xf32>
    %shift_right_arithmetic3A_20 = arith.constant 3 : i32
    %shift_right_arithmetic3A_21 = vector.broadcast %shift_right_arithmetic3A_20 : i32 to vector<2048x32xi32>
    %shift_right_arithmetic3A_22 = arith.shrsi %transpose3A, %shift_right_arithmetic3A_21 : vector<2048x32xi32>
    %and3A_23 = arith.constant 1 : i32
    %and3A_24 = vector.broadcast %and3A_23 : i32 to vector<2048x32xi32>
    %and3A_25 = arith.andi %shift_right_arithmetic3A_22, %and3A_24 : vector<2048x32xi32>
    %convert_element_type3A_26 = arith.sitofp %and3A_25 : vector<2048x32xi32> to vector<2048x32xf32>
    %shift_right_arithmetic3A_27 = arith.constant 4 : i32
    %shift_right_arithmetic3A_28 = vector.broadcast %shift_right_arithmetic3A_27 : i32 to vector<2048x32xi32>
    %shift_right_arithmetic3A_29 = arith.shrsi %transpose3A, %shift_right_arithmetic3A_28 : vector<2048x32xi32>
    %and3A_30 = arith.constant 1 : i32
    %and3A_31 = vector.broadcast %and3A_30 : i32 to vector<2048x32xi32>
    %and3A_32 = arith.andi %shift_right_arithmetic3A_29, %and3A_31 : vector<2048x32xi32>
    %convert_element_type3A_33 = arith.sitofp %and3A_32 : vector<2048x32xi32> to vector<2048x32xf32>
    %shift_right_arithmetic3A_34 = arith.constant 5 : i32
    %shift_right_arithmetic3A_35 = vector.broadcast %shift_right_arithmetic3A_34 : i32 to vector<2048x32xi32>
    %shift_right_arithmetic3A_36 = arith.shrsi %transpose3A, %shift_right_arithmetic3A_35 : vector<2048x32xi32>
    %and3A_37 = arith.constant 1 : i32
    %and3A_38 = vector.broadcast %and3A_37 : i32 to vector<2048x32xi32>
    %and3A_39 = arith.andi %shift_right_arithmetic3A_36, %and3A_38 : vector<2048x32xi32>
    %convert_element_type3A_40 = arith.sitofp %and3A_39 : vector<2048x32xi32> to vector<2048x32xf32>
    %shift_right_arithmetic3A_41 = arith.constant 6 : i32
    %shift_right_arithmetic3A_42 = vector.broadcast %shift_right_arithmetic3A_41 : i32 to vector<2048x32xi32>
    %shift_right_arithmetic3A_43 = arith.shrsi %transpose3A, %shift_right_arithmetic3A_42 : vector<2048x32xi32>
    %and3A_44 = arith.constant 1 : i32
    %and3A_45 = vector.broadcast %and3A_44 : i32 to vector<2048x32xi32>
    %and3A_46 = arith.andi %shift_right_arithmetic3A_43, %and3A_45 : vector<2048x32xi32>
    %convert_element_type3A_47 = arith.sitofp %and3A_46 : vector<2048x32xi32> to vector<2048x32xf32>
    %shift_right_arithmetic3A_48 = arith.constant 7 : i32
    %shift_right_arithmetic3A_49 = vector.broadcast %shift_right_arithmetic3A_48 : i32 to vector<2048x32xi32>
    %shift_right_arithmetic3A_50 = arith.shrsi %transpose3A, %shift_right_arithmetic3A_49 : vector<2048x32xi32>
    %and3A_51 = arith.constant 1 : i32
    %and3A_52 = vector.broadcast %and3A_51 : i32 to vector<2048x32xi32>
    %and3A_53 = arith.andi %shift_right_arithmetic3A_50, %and3A_52 : vector<2048x32xi32>
    %convert_element_type3A_54 = arith.sitofp %and3A_53 : vector<2048x32xi32> to vector<2048x32xf32>
    %shift_right_arithmetic3A_55 = arith.constant 8 : i32
    %shift_right_arithmetic3A_56 = vector.broadcast %shift_right_arithmetic3A_55 : i32 to vector<2048x32xi32>
    %shift_right_arithmetic3A_57 = arith.shrsi %transpose3A, %shift_right_arithmetic3A_56 : vector<2048x32xi32>
    %and3A_58 = arith.constant 1 : i32
    %and3A_59 = vector.broadcast %and3A_58 : i32 to vector<2048x32xi32>
    %and3A_60 = arith.andi %shift_right_arithmetic3A_57, %and3A_59 : vector<2048x32xi32>
    %convert_element_type3A_61 = arith.sitofp %and3A_60 : vector<2048x32xi32> to vector<2048x32xf32>
    %shift_right_arithmetic3A_62 = arith.constant 9 : i32
    %shift_right_arithmetic3A_63 = vector.broadcast %shift_right_arithmetic3A_62 : i32 to vector<2048x32xi32>
    %shift_right_arithmetic3A_64 = arith.shrsi %transpose3A, %shift_right_arithmetic3A_63 : vector<2048x32xi32>
    %and3A_65 = arith.constant 1 : i32
    %and3A_66 = vector.broadcast %and3A_65 : i32 to vector<2048x32xi32>
    %and3A_67 = arith.andi %shift_right_arithmetic3A_64, %and3A_66 : vector<2048x32xi32>
    %convert_element_type3A_68 = arith.sitofp %and3A_67 : vector<2048x32xi32> to vector<2048x32xf32>
    %shift_right_arithmetic3A_69 = arith.constant 10 : i32
    %shift_right_arithmetic3A_70 = vector.broadcast %shift_right_arithmetic3A_69 : i32 to vector<2048x32xi32>
    %shift_right_arithmetic3A_71 = arith.shrsi %transpose3A, %shift_right_arithmetic3A_70 : vector<2048x32xi32>
    %and3A_72 = arith.constant 1 : i32
    %and3A_73 = vector.broadcast %and3A_72 : i32 to vector<2048x32xi32>
    %and3A_74 = arith.andi %shift_right_arithmetic3A_71, %and3A_73 : vector<2048x32xi32>
    %convert_element_type3A_75 = arith.sitofp %and3A_74 : vector<2048x32xi32> to vector<2048x32xf32>
    %shift_right_arithmetic3A_76 = arith.constant 11 : i32
    %shift_right_arithmetic3A_77 = vector.broadcast %shift_right_arithmetic3A_76 : i32 to vector<2048x32xi32>
    %shift_right_arithmetic3A_78 = arith.shrsi %transpose3A, %shift_right_arithmetic3A_77 : vector<2048x32xi32>
    %and3A_79 = arith.constant 1 : i32
    %and3A_80 = vector.broadcast %and3A_79 : i32 to vector<2048x32xi32>
    %and3A_81 = arith.andi %shift_right_arithmetic3A_78, %and3A_80 : vector<2048x32xi32>
    %convert_element_type3A_82 = arith.sitofp %and3A_81 : vector<2048x32xi32> to vector<2048x32xf32>
    %shift_right_arithmetic3A_83 = arith.constant 12 : i32
    %shift_right_arithmetic3A_84 = vector.broadcast %shift_right_arithmetic3A_83 : i32 to vector<2048x32xi32>
    %shift_right_arithmetic3A_85 = arith.shrsi %transpose3A, %shift_right_arithmetic3A_84 : vector<2048x32xi32>
    %and3A_86 = arith.constant 1 : i32
    %and3A_87 = vector.broadcast %and3A_86 : i32 to vector<2048x32xi32>
    %and3A_88 = arith.andi %shift_right_arithmetic3A_85, %and3A_87 : vector<2048x32xi32>
    %convert_element_type3A_89 = arith.sitofp %and3A_88 : vector<2048x32xi32> to vector<2048x32xf32>
    %shift_right_arithmetic3A_90 = arith.constant 13 : i32
    %shift_right_arithmetic3A_91 = vector.broadcast %shift_right_arithmetic3A_90 : i32 to vector<2048x32xi32>
    %shift_right_arithmetic3A_92 = arith.shrsi %transpose3A, %shift_right_arithmetic3A_91 : vector<2048x32xi32>
    %and3A_93 = arith.constant 1 : i32
    %and3A_94 = vector.broadcast %and3A_93 : i32 to vector<2048x32xi32>
    %and3A_95 = arith.andi %shift_right_arithmetic3A_92, %and3A_94 : vector<2048x32xi32>
    %convert_element_type3A_96 = arith.sitofp %and3A_95 : vector<2048x32xi32> to vector<2048x32xf32>
    %shift_right_arithmetic3A_97 = arith.constant 14 : i32
    %shift_right_arithmetic3A_98 = vector.broadcast %shift_right_arithmetic3A_97 : i32 to vector<2048x32xi32>
    %shift_right_arithmetic3A_99 = arith.shrsi %transpose3A, %shift_right_arithmetic3A_98 : vector<2048x32xi32>
    %and3A_100 = arith.constant 1 : i32
    %and3A_101 = vector.broadcast %and3A_100 : i32 to vector<2048x32xi32>
    %and3A_102 = arith.andi %shift_right_arithmetic3A_99, %and3A_101 : vector<2048x32xi32>
    %convert_element_type3A_103 = arith.sitofp %and3A_102 : vector<2048x32xi32> to vector<2048x32xf32>
    %shift_right_arithmetic3A_104 = arith.constant 15 : i32
    %shift_right_arithmetic3A_105 = vector.broadcast %shift_right_arithmetic3A_104 : i32 to vector<2048x32xi32>
    %shift_right_arithmetic3A_106 = arith.shrsi %transpose3A, %shift_right_arithmetic3A_105 : vector<2048x32xi32>
    %and3A_107 = arith.constant 1 : i32
    %and3A_108 = vector.broadcast %and3A_107 : i32 to vector<2048x32xi32>
    %and3A_109 = arith.andi %shift_right_arithmetic3A_106, %and3A_108 : vector<2048x32xi32>
    %convert_element_type3A_110 = arith.sitofp %and3A_109 : vector<2048x32xi32> to vector<2048x32xf32>
    %concatenate3A = tpu.concatenate %convert_element_type3A, %convert_element_type3A_12, %convert_element_type3A_19, %convert_element_type3A_26, %convert_element_type3A_33, %convert_element_type3A_40, %convert_element_type3A_47, %convert_element_type3A_54, %convert_element_type3A_61, %convert_element_type3A_68, %convert_element_type3A_75, %convert_element_type3A_82, %convert_element_type3A_89, %convert_element_type3A_96, %convert_element_type3A_103, %convert_element_type3A_110 in 1 : vector<2048x32xf32>, vector<2048x32xf32>, vector<2048x32xf32>, vector<2048x32xf32>, vector<2048x32xf32>, vector<2048x32xf32>, vector<2048x32xf32>, vector<2048x32xf32>, vector<2048x32xf32>, vector<2048x32xf32>, vector<2048x32xf32>, vector<2048x32xf32>, vector<2048x32xf32>, vector<2048x32xf32>, vector<2048x32xf32>, vector<2048x32xf32> -> vector<2048x512xf32>
    %swap3A = arith.constant 0 : index
    %swap3A_111 = arith.constant 0 : index
    %swap3A_112 = vector.load %arg1[%swap3A, %swap3A_111] : memref<2048x512xf32, #tpu.memory_space<vmem>>, vector<2048x512xf32>
    tpu.vector_store %arg1[%swap3A, %swap3A_111], %concatenate3A {strides = array<i32>} : memref<2048x512xf32, #tpu.memory_space<vmem>>, vector<2048x512xf32>,
    return
  }
}

</mosaic_0001>

<sc_bundles>
// kernel: kernel.5.cloned.1.call-start
scs
__scs_entry_jumppad:
0x0: {  	(pc) =	sbr.rel $0x88, $3  }
0x1: {  	(tag) =	ssettag $0x0;
	lr =	simm.s32 $0x1  }
0x2: {  	[smem:$0x3F9E] =	sst lr;
	_ =	strace $0xD0000000  }
0x3: {  	_ = 	snop  }
0x4: {  	_ = 	snop  }
0x5: {  	_ = 	snop  }
0x6: {  	_ = 	snop  }
0x7: {  	_ = 	snop  }
__scs_overlays_trampoline_lowered:
0x8: {  	[smem:$0x3FAD] =	sst s0  }
0x9: {  	[smem:$0x3FAE] =	sst s1  }
0xa: {  	[smem:$0x3FAF] =	sst s2  }
0xb: {  	[smem:$0x3FB0] =	sst s3  }
0xc: {  	[smem:$0x3FB1] =	sst s4  }
0xd: {  	[smem:$0x3FB2] =	sst s5  }
0xe: {  	[smem:$0x3FB3] =	sst s6  }
0xf: {  	[smem:$0x3FB4] =	sst s7  }
0x10: {  	[smem:$0x3FB5] =	sst s8  }
0x11: {  	[smem:$0x3FB6] =	sst s9;
	s0 =	simm.s32 @!p0 $0x0  }
0x12: {  	s1 =	sld [smem:$0x3F9C];
	s0 =	simm.s32 @p0 $0x1  }
0x13: {  	[smem:$0x3FB7] =	sst s0;
	s0 =	simm.s32 @!p1 $0x0  }
0x14: {  	s2 =	sld [smem:$0x3F9B];
	s0 =	simm.s32 @p1 $0x1  }
0x15: {  	[smem:$0x3FB8] =	sst s0;
	s0 =	simm.s32 @!p2 $0x0  }
0x16: {  	s3 =	sld [smem:$0x3FDB];
	s0 =	simm.s32 @p2 $0x1  }
0x17: {  	s4 =	simm.s32 $0x1BF5;
	[smem:$0x3FBA] =	sst s0  }
0x18: {  	s0 =	sld [smem:$0x3F9D];
	_ =	swait.ge [sflag:s4], $0x0  }
0x19: {  	s7 =	sld [smem:$0x3F9E]  }
0x1a: {  	s8 =	sadd.s32 $0xFFFFE003, lr  }
0x1b: {  	s9 =	sadd.s32 $0xFFFFFEF7, lr;
	s5 =	simm.s32 $0xFFFFFFFF;
	p2 =	slt.u32 s8, $0xFFFFF086  }
0x1c: {  	p1 =	slt.u32 s9, $0xF7A;
	s5 =	simm.s32 @!p2 $0x0  }
0x1d: {  	s5 =	simm.s32 @p1 $0x1;
	p0 =	seq.s32 s7, s2  }
0x1e: {  	s7 =	smul.u32 @!p0 $0xF7A, s2;
	p2 =	seq.s32 @!p0 s5, $0x0  }
0x1f: {  	s9 =	smul.u32 $0xF7A, s1;
	s8 =	simm.s32 @!p0 $0x1BF5;
	p2 =	por !p2, p0  }
0x20: {  	[sflag:s8] =	ssyncset.s32 @!p0 $0xFFFFF086;
	s6 =	sadd.s32 @!p0 s3, s7;
	s7 =	simm.s32 @!p0 $0x108  }
0x21: {  	s3 =	sadd.s32 s3, s9;
	s6 =	sadd.s32 @!p0 $0x88, s6;
	s7 =	simm.s32 @p2 $0x1082  }
0x22: {  	[simem:s7], [sflag:s8] =	dma.local @!p0 [hbm:s6], $0xF7A  }
0x23: {  	s9 =	sor.u32 $0xD0000000, s2;
	s6 =	simm.s32 $0x108;
	_ =	swait.ge @!p0 [sflag:s8], $0x0  }
0x24: {  	s3 =	sadd.s32 $0x88, s3;
	s6 =	simm.s32 @!p1 $0x1082;
	[sflag:s4] =	ssyncset.s32 $0xFFFFF086  }
0x25: {  	[simem:s6], [sflag:s4] =	dma.local [hbm:s3], $0xF7A  }
0x26: {  	[smem:$0x3F9E] =	sst s1;
	(tag) =	ssettag s2;
	_ =	strace s9  }
0x27: {  	s1 =	sld [smem:$0x3FAE]  }
0x28: {  	s2 =	sld [smem:$0x3FAF]  }
0x29: {  	s4 =	sld [smem:$0x3FB1]  }
0x2a: {  	p0 =	seq.s32 s5, $0x0;
	s5 =	sld [smem:$0x3FB2]  }
0x2b: {  	s6 =	sld [smem:$0x3FB3]  }
0x2c: {  	s7 =	sld [smem:$0x3FB4]  }
0x2d: {  	s3 =	simm.s32 $0x108;
	s8 =	sld [smem:$0x3FB5]  }
0x2e: {  	s3 =	simm.s32 @!p0 $0x1082;
	s9 =	sld [smem:$0x3FB6]  }
0x2f: {  	lr =	sadd.s32 s0, s3;
	s0 =	sld [smem:$0x3FAD]  }
0x30: {  	s3 =	sld [smem:$0x3FB0]  }
0x31: {  	[smem:$0x3FB9] =	sst s10  }
0x32: {  	s10 =	sld [smem:$0x3FB7];
	_ =	sdelay $0x3  }
0x33: {  	p0 =	seq.s32 s10, $0x1;
	s10 =	sld [smem:$0x3FB9];
	_ =	sdelay $0x3  }
0x34: {  	[smem:$0x3FB9] =	sst s10  }
0x35: {  	s10 =	sld [smem:$0x3FB8];
	_ =	sdelay $0x3  }
0x36: {  	p1 =	seq.s32 s10, $0x1;
	s10 =	sld [smem:$0x3FB9];
	_ =	sdelay $0x3  }
0x37: {  	[smem:$0x3FB9] =	sst s10  }
0x38: {  	s10 =	sld [smem:$0x3FBA]  }
0x39: {  	_ = 	snop;
	(pc) =	sbr.ind lr, $3  }
0x3a: {  	_ = 	snop  }
0x3b: {  	_ = 	snop  }
0x3c: {  	p2 =	seq.s32 s10, $0x1;
	s10 =	sld [smem:$0x3FB9]  }
0x3d: {  	_ =	shalt  }
0x3e: {  	_ =	shalt  }
0x3f: {  	_ =	shalt  }
0x40: {  	_ =	shalt  }
0x41: {  	_ =	shalt  }
0x42: {  	_ =	shalt  }
0x43: {  	_ =	shalt  }
0x44: {  	_ =	shalt  }
0x45: {  	_ =	shalt  }
0x46: {  	_ =	shalt  }
0x47: {  	_ =	shalt  }
0x48: {  	_ =	shalt  }
0x49: {  	_ =	shalt  }
0x4a: {  	_ =	shalt  }
0x4b: {  	_ =	shalt  }
0x4c: {  	_ =	shalt  }
0x4d: {  	_ =	shalt  }
0x4e: {  	_ =	shalt  }
0x4f: {  	_ =	shalt  }
0x50: {  	_ =	shalt  }
0x51: {  	_ =	shalt  }
0x52: {  	_ =	shalt  }
0x53: {  	_ =	shalt  }
0x54: {  	_ =	shalt  }
0x55: {  	_ =	shalt  }
0x56: {  	_ =	shalt  }
0x57: {  	_ =	shalt  }
0x58: {  	_ =	shalt  }
0x59: {  	_ =	shalt  }
0x5a: {  	_ =	shalt  }
0x5b: {  	_ =	shalt  }
0x5c: {  	_ =	shalt  }
0x5d: {  	_ =	shalt  }
0x5e: {  	_ =	shalt  }
0x5f: {  	_ =	shalt  }
0x60: {  	_ =	shalt  }
0x61: {  	_ =	shalt  }
0x62: {  	_ =	shalt  }
0x63: {  	_ =	shalt  }
0x64: {  	_ =	shalt  }
0x65: {  	_ =	shalt  }
0x66: {  	_ =	shalt  }
0x67: {  	_ =	shalt  }
0x68: {  	_ =	shalt  }
0x69: {  	_ =	shalt  }
0x6a: {  	_ =	shalt  }
0x6b: {  	_ =	shalt  }
0x6c: {  	_ =	shalt  }
0x6d: {  	_ =	shalt  }
0x6e: {  	_ =	shalt  }
0x6f: {  	_ =	shalt  }
0x70: {  	_ =	shalt  }
0x71: {  	_ =	shalt  }
0x72: {  	_ =	shalt  }
0x73: {  	_ =	shalt  }
0x74: {  	_ =	shalt  }
0x75: {  	_ =	shalt  }
0x76: {  	_ =	shalt  }
0x77: {  	_ =	shalt  }
0x78: {  	_ =	shalt  }
0x79: {  	_ =	shalt  }
0x7a: {  	_ =	shalt  }
0x7b: {  	_ =	shalt  }
0x7c: {  	_ =	shalt  }
0x7d: {  	_ =	shalt  }
0x7e: {  	_ =	shalt  }
0x7f: {  	_ =	shalt  }
0x80: {  	_ =	shalt  }
0x81: {  	_ =	shalt  }
0x82: {  	_ =	shalt  }
0x83: {  	_ =	shalt  }
0x84: {  	_ =	shalt  }
0x85: {  	_ =	shalt  }
0x86: {  	_ =	shalt  }
0x87: {  	_ =	shalt  }
.Lfunc_end0:
.L_simem_size_0:
called_computation_lowered:
.L_overlay_start_0:
0x88: {  	s2 =	sld [smem:$0x3FD9]  }
0x89: {  	s3 =	sld [smem:$0x3FFE];
	_ =	sdelay $0x1  }
0x8a: {  	s1 =	srdreg.scid  }
0x8b: {  	s0 =	sand.u32 $0x1, s1  }
0x8c: {  	s17 =	sshll.u32 s0, $0xA;
	s2 =	sadd.s32 s3, s2  }
0x8d: {  	s2 =	sadd.s32 s2, s17  }
0x8e: {  	[smem:$0x3FC5] =	sst s2  }
0x8f: {  	_ = 	snop  }
0x90: {  	s2 =	sld [smem:$0x3FC8]  }
0x91: {  	s18 =	sld [smem:$0x3FD0];
	(tm) =	ssettm $0x1  }
0x92: {  	s4 =	sld [smem:$0x3FFB];
	_ =	sdelay $0x3  }
0x93: {  	_ =	strace s4  }
0x94: {  	s4 =	sld [smem:$0x3FFC];
	_ =	sdelay $0x3  }
0x95: {  	_ =	strace s4  }
0x96: {  	s4 =	sld [smem:$0x3FFD];
	_ =	sdelay $0x3  }
0x97: {  	_ =	strace s4  }
0x98: {  	_ =	strace $0x8FFFFFFF  }
0x99: {  	s19 =	sld [smem:$0x3FDB];
	_ =	sdelay $0x1  }
0x9a: {  	s5 =	simm.s32 $_scs_section_size  }
0x9b: {  	s6 =	simm.s32 $_size__tile_overlayer_lowered;
	s7 =	simm.s32 $_tile_overlayer_lowered  }
0x9c: {  	s22 =	simm.s32 $0x1BFF;
	s21 =	sshll.u32 s7, $0x1;
	s4 =	sadd.s32 s5, s19  }
0x9d: {  	s8 =	simm.s32 $0x0;
	s20 =	sshll.u32 s6, $0x1;
	s6 =	sadd.s32 s21, s4  }
0x9e: {  	[timem:s8], [sflag:s22] =	dma.local [hbm:s6], s20  }
0x9f: {  	_ =	swait.ge [sflag:s22], s20  }
0xa0: {  	s5 =	ssub.s32 $0x0, s20;
	[sflag:s22] =	ssyncset.done $0x0  }
0xa1: {  	[sflag:s22] =	ssyncadd.s32 s5;
	_ =	sdelay $0x1  }
0xa2: {  	s23 =	simm.s32 $0x1B8B  }
0xa3: {  	_ =	swait.ge [sflag:s23], $0x1  }
0xa4: {  	[sflag:s23] =	ssyncset.done $0x0  }
0xa5: {  	s25 =	simm.s32 $0x1B8E;
	s24 =	sld [smem:$0x3FFE];
	[sflag:s23] =	ssyncadd.s32 $0xFFFFFFFF  }
0xa6: {  	s26 =	simm.s32 $execute0_lowered;
	[smem:$0x3FD2] =	sst s25  }
0xa7: {  	s6 =	sshll.u32 s26, $0x1;
	_ =	strace $0x80000046;
	[dreg:$0x1] =	wrdreg $0xFFFFFFFF  }
0xa8: {  	s28 =	simm.s32 $_size_execute0_lowered;
	s4 =	sadd.s32 s4, s6;
	[dreg:$0x0] =	wrdreg $0x0  }
0xa9: {  	s6 =	sshll.u32 s28, $0x1;
	[dreg:$0x2] =	wrdreg s4  }
0xaa: {  	[dreg:$0x3] =	wrdreg s6  }
0xab: {  	[dreg:$0x4] =	wrdreg $0xC0  }
0xac: {  	_ =	task [dreg:s8], $0x5FFFF  }
0xad: {  	[dreg:$0x1] =	wrdreg $0xFFFFFFFF  }
0xae: {  	[dreg:$0x0] =	wrdreg $0x60  }
0xaf: {  	[dreg:$0x2] =	wrdreg s18  }
0xb0: {  	[dreg:$0x3] =	wrdreg s2  }
0xb1: {  	[dreg:$0x4] =	wrdreg s24  }
0xb2: {  	[dreg:$0x5] =	wrdreg $0x9  }
0xb3: {  	_ =	task.clear_ibuf [dreg:s8], $0x6FFFF;
	_ =	strace $0x90000046  }
0xb4: {  	s29 =	simm.s32 $0x9;
	_ =	strace $0x80000048  }
0xb5: {  	_ =	swait.ge [sflag:s29], $0x1  }
0xb6: {  	[sflag:s29] =	ssyncadd.s32 $0xFFFFFFFF  }
0xb7: {  	_ =	strace $0x90000048  }
0xb8: {  	_ =	sfence  }
0xb9: {  	s30 =	sld [smem:$0x0];
	_ =	sdelay $0x2  }
0xba: {  	s31 =	sshll.u32 s1, $0xD;
	s1 =	sshrl.u32 s1, $0x2  }
0xbb: {  	s3 =	sand.u32 $0x4000, s31;
	s1 =	sadd.s32 s1, s30  }
0xbc: {  	s0 =	sor.u32 s3, s0;
	s1 =	sshll.u32 s1, $0x11  }
0xbd: {  	s0 =	sor.u32 s1, s0  }
0xbe: {  	s0 =	sadd.s32 $0x8F2B, s0  }
0xbf: {  	[sflag:s0] =	ssyncadd.remote.s32 $0x1  }
0xc0: {  	_ =	sfence.sel $0xFFFF  }
0xc1: {  	[dreg:$0x0] =	wrdreg $0xFFFFFFFF;
	(pc) =	sbr.abs _section_cstart, $3  }
0xc2: {  	[dreg:$0x1] =	wrdreg $0xFFFFFFFF  }
0xc3: {  	_ =	task.clear_ibuf [dreg:s8], $0x2FFFF;
	_ =	strace $0x9FFFFFFF  }
0xc4: {  	(tm) =	ssettm $0x7FFFFFFF  }
0xc5: {  	_ =	shalt  }
tec
execute0_lowered:
.L_overlay_start_1:
0x0: {  	(tag) =	ssettag $0x1  }
0x1: {  	v1 =	vimm.s32 $0xFEDCBA9;
	v0 =	vlaneseq.u32;
	v4 =	vimm.s32 $0x87654321  }
0x2: {  	v5 =	vimm.s32 $0x98765432;
	v6 =	vimm.s32 $0x210FEDCB;
	v7 =	vimm.s32 $0xA9876543  }
0x3: {  	v17 =	vimm.s32 $0xCBA98765;
	v19 =	vimm.s32 $0x6543210F;
	v20 =	vimm.s32 $0xEDCBA987  }
0x4: {  	v21 =	vimm.s32 $0xFEDCBA98;
	v22 =	vimm.s32 $0x76543210;
	v3 =	vunpack.c.l.s4.s8 v1  }
0x5: {  	v1 =	vimm.s32 $0x0;
	v2 =	vor.u32 $0x4000, v0;
	v5 =	vunpack.c.l.s4.s8 v5  }
0x6: {  	v6 =	vunpack.c.l.s4.s8 v6;
	v19 =	vunpack.c.l.s4.s8 v19;
	v20 =	vunpack.c.l.s4.s8 v20  }
0x7: {  	v21 =	vunpack.c.l.s4.s8 v21;
	v9 =	vunpack.c.0.s8.s32 v3;
	v3 =	vunpack.c.l.s4.s8 v4  }
0x8: {  	v4 =	vimm.s32 $0x10FEDCBA;
	v12 =	vunpack.c.0.s8.s32 v5;
	v13 =	vunpack.c.0.s8.s32 v6  }
0x9: {  	v19 =	vunpack.c.0.s8.s32 v19;
	v20 =	vunpack.c.0.s8.s32 v20;
	v4 =	vunpack.c.l.s4.s8 v4  }
0xa: {  	v21 =	vunpack.c.0.s8.s32 v21;
	v10 =	vunpack.c.0.s8.s32 v3;
	v3 =	vunpack.c.l.s4.s8 v7  }
0xb: {  	v25 =	vcombine.low v20, v19;
	v11 =	vunpack.c.0.s8.s32 v4;
	v4 =	vimm.s32 $0x3210FEDC  }
0xc: {  	v21 =	vand.u32 $0xF, v21;
	v14 =	vunpack.c.0.s8.s32 v3;
	v3 =	vunpack.c.l.s4.s8 v4  }
0xd: {  	v4 =	vimm.s32 $0xBA987654;
	v5 =	vcombine.low v10, v9;
	v63 =	vcombine.low v9, v10  }
0xe: {  	s7 =	rddreg [dreg:$0x0];
	v10 =	vand.u32 $0xF, v25;
	v6 =	vcombine.low v12, v11;
	v4 =	vunpack.c.l.s4.s8 v4  }
0xf: {  	s0 =	rddreg [dreg:$0x1];
	v12 =	vcombine.low v11, v12;
	v7 =	vcombine.low v14, v13;
	v15 =	vunpack.c.0.s8.s32 v3  }
0x10: {  	s8 =	rddreg [dreg:$0x2];
	v3 =	vimm.s32 $0x43210FED;
	v13 =	vcombine.low v13, v14;
	v16 =	vunpack.c.0.s8.s32 v4  }
0x11: {  	s1 =	rddreg [dreg:$0x3];
	s4 =	srdreg.scid;
	v8 =	vunpack.c.l.s4.s8 v3;
	v4 =	vand.u32 $0xF, v6;
	v6 =	vunpack.c.l.s4.s8 v17  }
0x12: {  	s3 =	simm.s32 $0x0;
	s2 =	stileid.u32;
	s11 =	simm.s32 $0x800;
	v11 =	vand.u32 $0xF, v63;
	v3 =	vand.u32 $0xF, v5;
	v12 =	vand.u32 $0xF, v12  }
0x13: {  	s12 =	simm.s32 $0x1000;
	s13 =	simm.s32 $0x1800;
	s14 =	simm.s32 $0x2000;
	v5 =	vand.u32 $0xF, v7;
	v17 =	vunpack.c.0.s8.s32 v8;
	v18 =	vunpack.c.0.s8.s32 v6  }
0x14: {  	s15 =	simm.s32 $0x2400;
	s16 =	simm.s32 $0x2800;
	s17 =	simm.s32 $0x1;
	v6 =	vimm.s32 $0x543210FE;
	v8 =	vimm.s32 $0xDCBA9876;
	v14 =	vcombine.low v15, v16  }
0x15: {  	s18 =	simm.s32 $0x2C00;
	s19 =	simm.s32 $0x6C00;
	s20 =	simm.s32 $0x2;
	v13 =	vand.u32 $0xF, v13;
	v6 =	vunpack.c.l.s4.s8 v6;
	v8 =	vunpack.c.l.s4.s8 v8  }
0x16: {  	s21 =	simm.s32 $0x0;
	s4 =	sand.u32 $0x1, s4;
	[smem:$0x7FF] =	sst s3;
	v7 =	vcombine.low v16, v15;
	v15 =	vcombine.low v17, v18;
	v14 =	vand.u32 $0xF, v14  }
0x17: {  	s6 =	sshll.u32 s2, $0x8;
	s5 =	sshll.u32 s4, $0xC;
	_ =	strace $0x80000047;
	v23 =	vunpack.c.0.s8.s32 v6;
	v24 =	vunpack.c.0.s8.s32 v8;
	v8 =	vunpack.c.l.s4.s8 v22  }
0x18: {  	s31 =	ssub.s32 $0x2, s4;
	s4 =	sadd.s32 $0x800, s8;
	s5 =	sor.u32 s6, s5;
	v6 =	vand.u32 $0xF, v7;
	v7 =	vcombine.low v18, v17;
	v17 =	vcombine.low v19, v20  }
0x19: {  	s10 =	sshrl.u32 s31, $0x1;
	s6 =	sadd.s32 $0x2000, s7;
	s9 =	sadd.s32 s5, s8;
	v8 =	vunpack.c.0.s8.s32 v8;
	v62 =	vcombine.low v24, v23;
	v16 =	vcombine.low v23, v24  }
0x1a: {  	s10 =	ssub.s32 s31, s10;
	s5 =	sadd.s32 s7, s5;
	s7 =	sadd.s32 $0x2100, s7;
	v15 =	vand.u32 $0xF, v15;
	v7 =	vand.u32 $0xF, v7;
	v17 =	vand.u32 $0xF, v17  }
0x1b: {  	s8 =	sadd.s32 $0x880, s8;
	s9 =	sadd.s32 $0xA00, s9;
	s10 =	smax.u32 s10, $0x1;
	v8 =	vcombine.low v21, v8;
	v9 =	vand.u32 $0xF, v62;
	v16 =	vand.u32 $0xF, v16  }
.LBB2_1:
0x1c: {  	[tilespmem:s11], [sflag:$0x1] =	stream.linear.gather [hbm4b:s5+s3], $0x800, $0x38;
	[tilespmem:$0xAC10] =	vst v63  }
0x1d: {  	_ = 	snop  }
0x1e: {  	[tilespmem:s12], [sflag:$0x1] =	stream.linear.gather [hbm4b:s6+s3], $0x800, $0x38;
	[tilespmem:$0xAC10] =	vst v63  }
0x1f: {  	_ = 	snop  }
0x20: {  	[tilespmem:s13], [sflag:$0x1] =	stream.linear.gather [hbm4b:s7+s3], $0x800, $0x38;
	[tilespmem:$0xAC10] =	vst v63  }
0x21: {  	_ = 	snop  }
0x22: {  	[tilespmem:s14], [sflag:$0x1] =	stream.linear.gather [hbm4b:s0+s3], $0x400, $0x38;
	[tilespmem:$0xAC10] =	vst v63  }
0x23: {  	_ = 	snop  }
0x24: {  	[tilespmem:s15], [sflag:$0x1] =	stream.linear.gather [hbm4b:s4+s3], $0x400, $0x38;
	[tilespmem:$0xAC10] =	vst v63  }
0x25: {  	s23 =	simm.s32 $0x2C80  }
0x26: {  	[tilespmem:s16], [sflag:$0x1] =	stream.linear.gather [hbm4b:s8+s3], $0x400, $0x38;
	[tilespmem:$0xAC10] =	vst v63  }
0x27: {  	[tilespmem:s23+$0xFFFFFF80] =	vst v1  }
0x28: {  	[tilespmem:s23+$0x70] =	vst v1  }
0x29: {  	[tilespmem:s23+$0x60] =	vst v1  }
0x2a: {  	[tilespmem:s23+$0x50] =	vst v1  }
0x2b: {  	[tilespmem:s23+$0x40] =	vst v1  }
0x2c: {  	[tilespmem:s23+$0x30] =	vst v1  }
0x2d: {  	[tilespmem:s23+$0x20] =	vst v1  }
0x2e: {  	[tilespmem:s23+$0x10] =	vst v1  }
0x2f: {  	[tilespmem:s23+$0x0] =	vst v1  }
0x30: {  	[tilespmem:s23+$0xFFFFFFF0] =	vst v1  }
0x31: {  	[tilespmem:s23+$0xFFFFFFE0] =	vst v1  }
0x32: {  	[tilespmem:s23+$0xFFFFFFD0] =	vst v1  }
0x33: {  	[tilespmem:s23+$0xFFFFFFC0] =	vst v1  }
0x34: {  	[tilespmem:s23+$0xFFFFFFB0] =	vst v1  }
0x35: {  	s24 =	simm.s32 $0x0;
	[tilespmem:s23+$0xFFFFFFA0] =	vst v1  }
.LBB2_2:
0x36: {  	s24 =	sadd.s32 $0x2, s24;
	[tilespmem:s23+$0xFFFFFF90] =	vst v1;
	s23 =	sadd.s32 $0x100, s23;
	s22 =	simm.s32 $0x6C80  }
0x37: {  	[tilespmem:s23+$0xFFFFFF80] =	vst v1;
	p0 =	slt.u32 s24, $0x7E  }
0x38: {  	[tilespmem:s23+$0x70] =	vst v1  }
0x39: {  	[tilespmem:s23+$0x60] =	vst v1  }
0x3a: {  	[tilespmem:s23+$0x50] =	vst v1  }
0x3b: {  	[tilespmem:s23+$0x40] =	vst v1  }
0x3c: {  	[tilespmem:s23+$0x30] =	vst v1  }
0x3d: {  	[tilespmem:s23+$0x20] =	vst v1  }
0x3e: {  	[tilespmem:s23+$0x10] =	vst v1  }
0x3f: {  	[tilespmem:s23+$0x0] =	vst v1  }
0x40: {  	[tilespmem:s23+$0xFFFFFFF0] =	vst v1  }
.Ltmp0:
0x41: {  	[tilespmem:s23+$0xFFFFFFE0] =	vst v1;
	(pc) =	sbr.rel @p0 .LBB2_2-.Ltmp0, $4  }
0x42: {  	[tilespmem:s23+$0xFFFFFFD0] =	vst v1  }
0x43: {  	[tilespmem:s23+$0xFFFFFFC0] =	vst v1  }
0x44: {  	[tilespmem:s23+$0xFFFFFFB0] =	vst v1  }
0x45: {  	[tilespmem:s23+$0xFFFFFFA0] =	vst v1  }
0x46: {  	[tilespmem:s23+$0xFFFFFF90] =	vst v1  }
0x47: {  	[tilespmem:s22+$0xFFFFFF80] =	vst v1  }
0x48: {  	[tilespmem:s22+$0x70] =	vst v1  }
0x49: {  	[tilespmem:s22+$0x60] =	vst v1  }
0x4a: {  	[tilespmem:s22+$0x50] =	vst v1  }
0x4b: {  	[tilespmem:s22+$0x40] =	vst v1  }
0x4c: {  	[tilespmem:s22+$0x30] =	vst v1  }
0x4d: {  	[tilespmem:s22+$0x20] =	vst v1  }
0x4e: {  	[tilespmem:s22+$0x10] =	vst v1  }
0x4f: {  	[tilespmem:s22+$0x0] =	vst v1  }
0x50: {  	[tilespmem:s22+$0xFFFFFFF0] =	vst v1  }
0x51: {  	[tilespmem:s22+$0xFFFFFFE0] =	vst v1  }
0x52: {  	[tilespmem:s22+$0xFFFFFFD0] =	vst v1  }
0x53: {  	[tilespmem:s22+$0xFFFFFFC0] =	vst v1  }
0x54: {  	[tilespmem:s22+$0xFFFFFFB0] =	vst v1  }
0x55: {  	s23 =	simm.s32 $0x0;
	[tilespmem:s22+$0xFFFFFFA0] =	vst v1  }
.LBB2_4:
0x56: {  	s23 =	sadd.s32 $0x2, s23;
	[tilespmem:s22+$0xFFFFFF90] =	vst v1;
	s22 =	sadd.s32 $0x100, s22  }
0x57: {  	[tilespmem:s22+$0xFFFFFF80] =	vst v1;
	p0 =	slt.u32 s23, $0x7E  }
0x58: {  	[tilespmem:s22+$0x70] =	vst v1  }
0x59: {  	[tilespmem:s22+$0x60] =	vst v1  }
0x5a: {  	[tilespmem:s22+$0x50] =	vst v1  }
0x5b: {  	[tilespmem:s22+$0x40] =	vst v1  }
0x5c: {  	[tilespmem:s22+$0x30] =	vst v1  }
0x5d: {  	[tilespmem:s22+$0x20] =	vst v1  }
0x5e: {  	[tilespmem:s22+$0x10] =	vst v1  }
0x5f: {  	[tilespmem:s22+$0x0] =	vst v1  }
0x60: {  	[tilespmem:s22+$0xFFFFFFF0] =	vst v1  }
.Ltmp1:
0x61: {  	[tilespmem:s22+$0xFFFFFFE0] =	vst v1;
	(pc) =	sbr.rel @p0 .LBB2_4-.Ltmp1, $4  }
0x62: {  	[tilespmem:s22+$0xFFFFFFD0] =	vst v1  }
0x63: {  	[tilespmem:s22+$0xFFFFFFC0] =	vst v1  }
0x64: {  	[tilespmem:s22+$0xFFFFFFB0] =	vst v1  }
0x65: {  	[tilespmem:s22+$0xFFFFFFA0] =	vst v1  }
0x66: {  	[tilespmem:s22+$0xFFFFFF90] =	vst v1  }
0x67: {  	[tilespmem:$0xAC00] =	vst v1  }
0x68: {  	_ =	swait.ge [sflag:s17], $0x800  }
0x69: {  	[sflag:s17] =	ssyncset.done $0x0  }
0x6a: {  	[sflag:s17] =	ssyncadd.s32 $0xFFFFF800  }
0x6b: {  	_ =	swait.ge [sflag:s17], $0x800  }
0x6c: {  	[sflag:s17] =	ssyncset.done $0x0  }
0x6d: {  	[sflag:s17] =	ssyncadd.s32 $0xFFFFF800  }
0x6e: {  	_ =	swait.ge [sflag:s17], $0x800  }
0x6f: {  	[sflag:s17] =	ssyncset.done $0x0  }
0x70: {  	[sflag:s17] =	ssyncadd.s32 $0xFFFFF800  }
0x71: {  	_ =	swait.ge [sflag:s17], $0x400  }
0x72: {  	[sflag:s17] =	ssyncset.done $0x0  }
0x73: {  	[sflag:s17] =	ssyncadd.s32 $0xFFFFFC00  }
0x74: {  	_ =	swait.ge [sflag:s17], $0x400  }
0x75: {  	[sflag:s17] =	ssyncset.done $0x0  }
0x76: {  	[sflag:s17] =	ssyncadd.s32 $0xFFFFFC00  }
0x77: {  	_ =	swait.ge [sflag:s17], $0x400  }
0x78: {  	s22 =	simm.s32 $0x0;
	[sflag:s17] =	ssyncset.done $0x0  }
0x79: {  	s24 =	simm.s32 $0x0;
	s23 =	simm.s32 $0x40;
	[sflag:s17] =	ssyncadd.s32 $0xFFFFFC00  }
.LBB2_6:
0x7a: {  	p0 =	sne.s32 s23, $0x1FC0;
	v18 =	vld [tilespmem:s24+$0x1800];
	_ =	sdelay $0x4  }
0x7b: {  	v18 =	vshll.u32 v18, $0x4  }
0x7c: {  	v18 =	vor.u32 v0, v18;
	_ =	sdelay $0x4  }
0x7d: {  	v19 =	vld.idx.msk [tilespmem:v18+s18+$0x0], $0xffff  }
0x7e: {  	v20 =	vld [tilespmem:s24+$0x800];
	_ =	sdelay $0x1  }
.Ltmp2:
0x7f: {  	(pc) =	sbr.rel @p0 .LBB2_6-.Ltmp2, $3  }
0x80: {  	_ =	sdelay $0x1  }
0x81: {  	v19 =	vxor.u32 v20, v19  }
0x82: {  	s24 =	sshra.s32 s23, $0x2;
	s23 =	sadd.s32 $0x40, s23;
	[tilespmem:v18+s18+$0x0] =	vst.idx.msk $0xffff, v19  }
0x83: {  	v18 =	vld [tilespmem:s24+$0x1800];
	_ =	sdelay $0x4  }
0x84: {  	v18 =	vshll.u32 v18, $0x4  }
0x85: {  	v18 =	vor.u32 v0, v18;
	_ =	sdelay $0x3  }
0x86: {  	v20 =	vld [tilespmem:s24+$0x800]  }
0x87: {  	v19 =	vld.idx.msk [tilespmem:v18+s18+$0x0], $0xffff;
	_ =	sdelay $0x4  }
0x88: {  	v19 =	vxor.u32 v20, v19  }
0x89: {  	[tilespmem:v18+s18+$0x0] =	vst.idx.msk $0xffff, v19  }
.LBB2_8:
0x8a: {  	s23 =	sshra.s32 s22, $0x2  }
0x8b: {  	v18 =	vld [tilespmem:s23+$0x2800];
	_ =	sdelay $0x4  }
0x8c: {  	v18 =	vshll.u32 v18, $0x4  }
0x8d: {  	v19 =	vor.u32 v0, v18  }
0x8e: {  	v20 =	vor.u32 v3, v18  }
0x8f: {  	v21 =	vor.u32 v4, v18  }
0x90: {  	v22 =	vld [tilespmem:s23+$0x2000];
	v23 =	vor.u32 v5, v18  }
0x91: {  	v24 =	vld [tilespmem:s23+$0x2400];
	v25 =	vor.u32 v6, v18  }
0x92: {  	v26 =	vor.u32 v7, v18;
	v19 =	vld.idx.msk [tilespmem:v19+s18+$0x0], $0xffff  }
0x93: {  	v27 =	vor.u32 v9, v18;
	v20 =	vld.idx.msk [tilespmem:v20+s18+$0x0], $0xffff  }
0x94: {  	v28 =	vor.u32 v10, v18;
	v21 =	vld.idx.msk [tilespmem:v21+s18+$0x0], $0xffff  }
0x95: {  	v29 =	vor.u32 v8, v18;
	v23 =	vld.idx.msk [tilespmem:v23+s18+$0x0], $0xffff  }
0x96: {  	v30 =	vor.u32 v11, v18;
	v25 =	vld.idx.msk [tilespmem:v25+s18+$0x0], $0xffff  }
0x97: {  	v31 =	vor.u32 v12, v18;
	v26 =	vld.idx.msk [tilespmem:v26+s18+$0x0], $0xffff  }
0x98: {  	v50 =	vor.u32 v13, v18;
	v49 =	vld.idx.msk [tilespmem:v27+s18+$0x0], $0xffff;
	v19 =	vxor.u32 v19, v20  }
0x99: {  	v52 =	vor.u32 v14, v18;
	v51 =	vld.idx.msk [tilespmem:v28+s18+$0x0], $0xffff;
	v19 =	vxor.u32 v21, v19  }
0x9a: {  	vm0 =	vge.f32 v22, $5.000000000e-01;
	v54 =	vor.u32 v15, v18;
	v53 =	vld.idx.msk [tilespmem:v29+s18+$0x0], $0xffff;
	v19 =	vxor.u32 v23, v19  }
0x9b: {  	v24 =	vshll.u32 v24, $0x4;
	v56 =	vor.u32 v16, v18;
	v55 =	vld.idx.msk [tilespmem:v30+s18+$0x0], $0xffff;
	v19 =	vxor.u32 v25, v19  }
0x9c: {  	v24 =	vor.u32 v0, v24;
	v18 =	vor.u32 v17, v18;
	v57 =	vld.idx.msk [tilespmem:v31+s18+$0x0], $0xffff;
	v19 =	vxor.u32 v26, v19  }
0x9d: {  	v58 =	vsel vm0, v24, v2;
	v59 =	vld.idx.msk [tilespmem:v50+s18+$0x0], $0xffff;
	v19 =	vxor.u32 v49, v19  }
0x9e: {  	v60 =	vld.idx.msk [tilespmem:v52+s18+$0x0], $0xffff;
	v19 =	vxor.u32 v51, v19  }
0x9f: {  	v61 =	vld.idx.msk [tilespmem:v54+s18+$0x0], $0xffff;
	v19 =	vxor.u32 v53, v19  }
0xa0: {  	v62 =	vld.idx.msk [tilespmem:v56+s18+$0x0], $0xffff;
	v19 =	vxor.u32 v55, v19  }
0xa1: {  	v18 =	vld.idx.msk [tilespmem:v18+s18+$0x0], $0xffff;
	v19 =	vxor.u32 v57, v19  }
0xa2: {  	v63 =	vld.idx.msk [tilespmem:v58+s19+$0x0], $0xffff;
	v19 =	vxor.u32 v59, v19  }
0xa3: {  	p0 =	sne.s32 s22, $0xFC0;
	v19 =	vxor.u32 v60, v19  }
.Ltmp3:
0xa4: {  	v19 =	vxor.u32 v61, v19;
	(pc) =	sbr.rel @p0 .LBB2_8-.Ltmp3, $4  }
0xa5: {  	v19 =	vxor.u32 v62, v19  }
0xa6: {  	v18 =	vxor.u32 v18, v19  }
0xa7: {  	v18 =	vxor.u32 v63, v18  }
0xa8: {  	s22 =	sadd.s32 $0x40, s22;
	[tilespmem:v58+s19+$0x0] =	vst.idx.msk $0xffff, v18  }
0xa9: {  	s22 =	simm.s32 $0x1010  }
0xaa: {  	v18 =	vld [tilespmem:s22+$0x0];
	_ =	sdelay $0x4  }
0xab: {  	v18 =	vshll.u32 v18, $0x4  }
0xac: {  	v19 =	vor.u32 v0, v18  }
0xad: {  	v20 =	vor.u32 v3, v18  }
0xae: {  	v21 =	vor.u32 v4, v18  }
0xaf: {  	v22 =	vor.u32 v5, v18  }
0xb0: {  	v23 =	vld [tilespmem:s22+$0xFFFFFFF0];
	v24 =	vor.u32 v6, v18  }
0xb1: {  	v25 =	vor.u32 v7, v18;
	v19 =	vld.idx.msk [tilespmem:v19+s19+$0x0], $0xffff  }
0xb2: {  	v26 =	vor.u32 v9, v18;
	v20 =	vld.idx.msk [tilespmem:v20+s19+$0x0], $0xffff  }
0xb3: {  	v27 =	vor.u32 v10, v18;
	v21 =	vld.idx.msk [tilespmem:v21+s19+$0x0], $0xffff  }
0xb4: {  	v28 =	vor.u32 v8, v18;
	v22 =	vld.idx.msk [tilespmem:v22+s19+$0x0], $0xffff  }
0xb5: {  	v30 =	vor.u32 v12, v18;
	v24 =	vld.idx.msk [tilespmem:v24+s19+$0x0], $0xffff  }
0xb6: {  	v29 =	vor.u32 v11, v18;
	v25 =	vld.idx.msk [tilespmem:v25+s19+$0x0], $0xffff  }
0xb7: {  	v31 =	vor.u32 v13, v18;
	v26 =	vld.idx.msk [tilespmem:v26+s19+$0x0], $0xffff  }
0xb8: {  	v19 =	vxor.u32 v19, v20;
	v20 =	vld.idx.msk [tilespmem:v27+s19+$0x0], $0xffff;
	v27 =	vor.u32 v14, v18  }
0xb9: {  	v33 =	vshll.u32 v23, $0x4;
	v19 =	vxor.u32 v21, v19;
	v21 =	vld.idx.msk [tilespmem:v28+s19+$0x0], $0xffff;
	v28 =	vor.u32 v15, v18  }
0xba: {  	v23 =	vld.idx.msk [tilespmem:v30+s19+$0x0], $0xffff;
	v30 =	vor.u32 v3, v33;
	v19 =	vxor.u32 v22, v19  }
0xbb: {  	v22 =	vld.idx.msk [tilespmem:v29+s19+$0x0], $0xffff;
	v29 =	vor.u32 v16, v18;
	v19 =	vxor.u32 v24, v19  }
0xbc: {  	v18 =	vor.u32 v17, v18;
	v19 =	vxor.u32 v25, v19;
	v25 =	vld.idx.msk [tilespmem:v31+s19+$0x0], $0xffff  }
0xbd: {  	v32 =	vor.u32 v5, v33;
	v19 =	vxor.u32 v26, v19;
	v26 =	vld.idx.msk [tilespmem:v27+s19+$0x0], $0xffff  }
0xbe: {  	v24 =	vor.u32 v0, v33;
	v19 =	vxor.u32 v20, v19;
	v20 =	vld.idx.msk [tilespmem:v28+s19+$0x0], $0xffff  }
0xbf: {  	v31 =	vor.u32 v4, v33;
	v28 =	vld.idx.msk [tilespmem:v30+s19+$0x0], $0xffff;
	v19 =	vxor.u32 v21, v19  }
0xc0: {  	v36 =	vor.u32 v7, v33;
	v21 =	vld.idx.msk [tilespmem:v29+s19+$0x0], $0xffff;
	v19 =	vxor.u32 v22, v19  }
0xc1: {  	v34 =	vor.u32 v6, v33;
	v35 =	vld.idx.msk [tilespmem:v18+s19+$0x0], $0xffff;
	v18 =	vxor.u32 v23, v19  }
0xc2: {  	v37 =	vor.u32 v9, v33;
	v30 =	vld.idx.msk [tilespmem:v32+s19+$0x0], $0xffff;
	v18 =	vxor.u32 v25, v18  }
0xc3: {  	v27 =	vld.idx.msk [tilespmem:v24+s19+$0x0], $0xffff;
	v24 =	vor.u32 v10, v33;
	v18 =	vxor.u32 v26, v18  }
0xc4: {  	v22 =	vor.u32 v11, v33;
	v29 =	vld.idx.msk [tilespmem:v31+s19+$0x0], $0xffff;
	v23 =	vor.u32 v16, v33;
	v19 =	vxor.u32 v20, v18  }
0xc5: {  	v32 =	vld.idx.msk [tilespmem:v36+s19+$0x0], $0xffff;
	v25 =	vor.u32 v12, v33;
	v26 =	vor.u32 v8, v33;
	v21 =	vxor.u32 v21, v19  }
0xc6: {  	s22 =	simm.s32 $0x10;
	v31 =	vld.idx.msk [tilespmem:v34+s19+$0x0], $0xffff;
	v18 =	vor.u32 v13, v33;
	v20 =	vor.u32 v14, v33;
	v63 =	vxor.u32 v35, v21  }
0xc7: {  	s23 =	simm.s32 $0x0;
	s24 =	simm.s32 $0x1030;
	v19 =	vor.u32 v15, v33;
	v21 =	vor.u32 v17, v33;
	v33 =	vld.idx.msk [tilespmem:v37+s19+$0x0], $0xffff;
	[tilespmem:s22+$0x0] =	vst v63  }
.LBB2_10:
0xc8: {  	v34 =	vld [tilespmem:s24+$0x0];
	v27 =	vxor.u32 v27, v28  }
0xc9: {  	s23 =	sadd.s32 $0x2, s23;
	v28 =	vld [tilespmem:s24+$0xFFFFFFF0];
	v27 =	vxor.u32 v29, v27  }
0xca: {  	p0 =	slt.u32 s23, $0x7E;
	v27 =	vxor.u32 v30, v27;
	v29 =	vld.idx.msk [tilespmem:v24+s19+$0x0], $0xffff  }
0xcb: {  	v24 =	vxor.u32 v31, v27;
	v27 =	vld.idx.msk [tilespmem:v26+s19+$0x0], $0xffff  }
0xcc: {  	v24 =	vxor.u32 v32, v24;
	v30 =	vld.idx.msk [tilespmem:v22+s19+$0x0], $0xffff  }
0xcd: {  	v31 =	vshll.u32 v34, $0x4;
	v32 =	vxor.u32 v33, v24;
	v33 =	vld.idx.msk [tilespmem:v25+s19+$0x0], $0xffff  }
0xce: {  	v28 =	vshll.u32 v28, $0x4;
	v25 =	vor.u32 v0, v31;
	v34 =	vld.idx.msk [tilespmem:v18+s19+$0x0], $0xffff  }
0xcf: {  	v37 =	vor.u32 v3, v31;
	v35 =	vor.u32 v0, v28;
	v36 =	vor.u32 v3, v28;
	v38 =	vld.idx.msk [tilespmem:v20+s19+$0x0], $0xffff  }
0xd0: {  	v41 =	vor.u32 v4, v31;
	v39 =	vor.u32 v4, v28;
	v40 =	vor.u32 v5, v28;
	v42 =	vld.idx.msk [tilespmem:v19+s19+$0x0], $0xffff  }
0xd1: {  	v45 =	vor.u32 v5, v31;
	v43 =	vor.u32 v6, v28;
	v44 =	vor.u32 v7, v28;
	v46 =	vld.idx.msk [tilespmem:v23+s19+$0x0], $0xffff  }
0xd2: {  	v48 =	vor.u32 v6, v31;
	v47 =	vor.u32 v9, v28;
	v24 =	vor.u32 v10, v28;
	v49 =	vld.idx.msk [tilespmem:v21+s19+$0x0], $0xffff  }
0xd3: {  	v51 =	vor.u32 v7, v31;
	v26 =	vor.u32 v8, v28;
	v22 =	vor.u32 v11, v28;
	v50 =	vld.idx.msk [tilespmem:v25+s19+$0x0], $0xffff  }
0xd4: {  	v52 =	vor.u32 v9, v31;
	v18 =	vor.u32 v13, v28;
	v25 =	vor.u32 v12, v28;
	v37 =	vld.idx.msk [tilespmem:v37+s19+$0x0], $0xffff  }
0xd5: {  	v53 =	vor.u32 v10, v31;
	v20 =	vor.u32 v14, v28;
	v21 =	vxor.u32 v29, v32;
	v41 =	vld.idx.msk [tilespmem:v41+s19+$0x0], $0xffff  }
0xd6: {  	v19 =	vor.u32 v15, v28;
	v32 =	vor.u32 v8, v31;
	v21 =	vxor.u32 v27, v21;
	v29 =	vld.idx.msk [tilespmem:v45+s19+$0x0], $0xffff  }
0xd7: {  	v23 =	vor.u32 v16, v28;
	v30 =	vxor.u32 v30, v21;
	v45 =	vor.u32 v11, v31;
	v27 =	vld.idx.msk [tilespmem:v48+s19+$0x0], $0xffff  }
0xd8: {  	v21 =	vor.u32 v17, v28;
	v30 =	vxor.u32 v33, v30;
	v48 =	vor.u32 v12, v31;
	v28 =	vld.idx.msk [tilespmem:v51+s19+$0x0], $0xffff  }
0xd9: {  	v30 =	vxor.u32 v34, v30;
	v51 =	vor.u32 v13, v31;
	v33 =	vld.idx.msk [tilespmem:v52+s19+$0x0], $0xffff  }
0xda: {  	v30 =	vxor.u32 v38, v30;
	v34 =	vxor.u32 v50, v37;
	v50 =	vor.u32 v14, v31;
	v37 =	vld.idx.msk [tilespmem:v53+s19+$0x0], $0xffff  }
0xdb: {  	v38 =	vor.u32 v15, v31;
	v30 =	vxor.u32 v42, v30;
	v34 =	vxor.u32 v41, v34;
	v32 =	vld.idx.msk [tilespmem:v32+s19+$0x0], $0xffff  }
0xdc: {  	v30 =	vxor.u32 v46, v30;
	v41 =	vor.u32 v16, v31;
	v29 =	vxor.u32 v29, v34;
	v34 =	vld.idx.msk [tilespmem:v45+s19+$0x0], $0xffff  }
0xdd: {  	v31 =	vor.u32 v17, v31;
	v30 =	vxor.u32 v49, v30;
	v27 =	vxor.u32 v27, v29;
	v29 =	vld.idx.msk [tilespmem:v48+s19+$0x0], $0xffff  }
0xde: {  	v27 =	vxor.u32 v28, v27;
	v42 =	vld.idx.msk [tilespmem:v51+s19+$0x0], $0xffff;
	[tilespmem:s22+$0xFFFFFFF0] =	vst v30  }
0xdf: {  	v27 =	vxor.u32 v33, v27;
	v30 =	vld.idx.msk [tilespmem:v50+s19+$0x0], $0xffff  }
0xe0: {  	v27 =	vxor.u32 v37, v27;
	v33 =	vld.idx.msk [tilespmem:v38+s19+$0x0], $0xffff  }
0xe1: {  	v27 =	vxor.u32 v32, v27;
	v32 =	vld.idx.msk [tilespmem:v41+s19+$0x0], $0xffff  }
0xe2: {  	v28 =	vxor.u32 v34, v27;
	v34 =	vld.idx.msk [tilespmem:v31+s19+$0x0], $0xffff  }
0xe3: {  	v29 =	vxor.u32 v29, v28;
	v27 =	vld.idx.msk [tilespmem:v35+s19+$0x0], $0xffff  }
0xe4: {  	v31 =	vxor.u32 v42, v29;
	v28 =	vld.idx.msk [tilespmem:v36+s19+$0x0], $0xffff  }
.Ltmp4:
0xe5: {  	v31 =	vxor.u32 v30, v31;
	v29 =	vld.idx.msk [tilespmem:v39+s19+$0x0], $0xffff;
	(pc) =	sbr.rel @p0 .LBB2_10-.Ltmp4, $4  }
0xe6: {  	v33 =	vxor.u32 v33, v31;
	v30 =	vld.idx.msk [tilespmem:v40+s19+$0x0], $0xffff  }
0xe7: {  	v33 =	vxor.u32 v32, v33;
	v31 =	vld.idx.msk [tilespmem:v43+s19+$0x0], $0xffff  }
0xe8: {  	s22 =	sadd.s32 $0x20, s22;
	v34 =	vxor.u32 v34, v33;
	v32 =	vld.idx.msk [tilespmem:v44+s19+$0x0], $0xffff  }
0xe9: {  	s24 =	sadd.s32 $0x20, s24;
	v33 =	vld.idx.msk [tilespmem:v47+s19+$0x0], $0xffff;
	[tilespmem:s22+$0x0] =	vst v34  }
0xea: {  	_ =	sdelay $0x2  }
0xeb: {  	v27 =	vxor.u32 v27, v28  }
0xec: {  	v24 =	vld.idx.msk [tilespmem:v24+s19+$0x0], $0xffff;
	v27 =	vxor.u32 v29, v27  }
0xed: {  	v26 =	vld.idx.msk [tilespmem:v26+s19+$0x0], $0xffff;
	v27 =	vxor.u32 v30, v27  }
0xee: {  	v22 =	vld.idx.msk [tilespmem:v22+s19+$0x0], $0xffff;
	v27 =	vxor.u32 v31, v27  }
0xef: {  	v25 =	vld.idx.msk [tilespmem:v25+s19+$0x0], $0xffff;
	v27 =	vxor.u32 v32, v27  }
0xf0: {  	v18 =	vld.idx.msk [tilespmem:v18+s19+$0x0], $0xffff;
	v27 =	vxor.u32 v33, v27  }
0xf1: {  	v20 =	vld.idx.msk [tilespmem:v20+s19+$0x0], $0xffff;
	v24 =	vxor.u32 v24, v27  }
0xf2: {  	v19 =	vld.idx.msk [tilespmem:v19+s19+$0x0], $0xffff;
	v24 =	vxor.u32 v26, v24  }
0xf3: {  	v23 =	vld.idx.msk [tilespmem:v23+s19+$0x0], $0xffff;
	v22 =	vxor.u32 v22, v24  }
0xf4: {  	v21 =	vld.idx.msk [tilespmem:v21+s19+$0x0], $0xffff;
	v22 =	vxor.u32 v25, v22  }
0xf5: {  	v18 =	vxor.u32 v18, v22  }
0xf6: {  	v18 =	vxor.u32 v20, v18  }
0xf7: {  	v18 =	vxor.u32 v19, v18  }
0xf8: {  	s21 =	sadd.s32 $0x1, s21;
	v18 =	vxor.u32 v23, v18  }
0xf9: {  	p0 =	sne.s32 s21, s10;
	v18 =	vxor.u32 v21, v18  }
.Ltmp5:
0xfa: {  	[tilespmem:s22+$0xFFFFFFF0] =	vst v18;
	(pc) =	sbr.rel @p0 .LBB2_1-.Ltmp5, $4  }
0xfb: {  	[hbm4b:s9+s3] =	stream.linear.scatter [tilespmem:s3], [sflag:$0x2], $0x800, $0x38;
	[tilespmem:$0xAC10] =	vst v63  }
0xfc: {  	_ =	swait.ge [sflag:s20], $0x800  }
0xfd: {  	[sflag:s20] =	ssyncset.done $0x0  }
0xfe: {  	[sflag:s20] =	ssyncadd.s32 $0xFFFFF800  }
0xff: {  	_ =	sfence.sel $0x180000  }
0x100: {  	[bflag:$0x0] =	sbarrier.arrive $0xFFFF  }
0x101: {  	p0 =	sne.s32 s2, $0x0;
	_ =	strace $0x90000047  }
0x102: {  	s0 =	sadd.s32 @!p0 $0x100000, s1;
	[bflag:$0x2] =	sbarrier.arrive $0xFFFF  }
0x103: {  	[sflag:s0] =	ssyncadd.tile.s32 @!p0 $0x1;
	_ =	shalt  }
.Lfunc_end2:
_tile_overlayer_lowered:
.L_overlay_start_2:
0x104: {  	(tag) =	ssettag $0x2  }
0x105: {  	s0 =	rddreg [dreg:$0x0];
	s2 =	stileid.u32  }
0x106: {  	s1 =	rddreg [dreg:$0x1];
	p0 =	sne.s32 s2, $0x0  }
0x107: {  	s3 =	rddreg [dreg:$0x2];
	[bflag:$0x3] =	sbarrier.arrive $0xFFFF;
	s2 =	simm.s32 @!p0 $0x1C02  }
0x108: {  	[timem:s3], [sflag:s2] =	dma.local @!p0 [hbm:s0], s1  }
0x109: {  	s0 =	simm.s32 @!p0 $0x2  }
0x10a: {  	_ =	swait.ge @!p0 [sflag:s0], s1  }
0x10b: {  	s1 =	ssub.s32 @!p0 $0x0, s1;
	[sflag:s0] =	ssyncset.done @!p0 $0x0  }
0x10c: {  	[sflag:s0] =	ssyncadd.s32 @!p0 s1  }
0x10d: {  	[bflag:$0x3] =	sbarrier.arrive $0xFFFF  }
0x10e: {  	_ =	shalt  }

</sc_bundles>
